<compile_context>
chip_gen: v7x
topology: tpu7x:2x2x1
jax: 0.10.2.dev20260603
libtpu: 0.0.44.dev20260713+nightly
codegen_flags: <defaults>
</compile_context>

<pallas_src>
import jax
import jax.numpy as jnp
from jax import lax
from jax.experimental import pallas as pl
from jax.experimental.pallas import tpu as pltpu
from jax.experimental.pallas import tpu_sc as plsc

_D = 64
_K = 8192
_BETA = 0.25

_T = 256
_C = 1024
_KC = _K // _C

_NC = 2
_NS = 16
_NW = _NC * _NS
_GCHUNK = 128


def _dist_argmin_body(x_ref, cbt_ref, idx_ref, loss_ref):
    i = pl.program_id(0)
    xt = x_ref[0]
    x2 = jnp.sum(xt * xt, axis=1, keepdims=True)
    xm2 = xt * (-2.0)
    best = None
    bidx = None
    for kc in range(_KC):
        ebt = cbt_ref[:, kc * _C:(kc + 1) * _C]
        e2 = jnp.sum(ebt * ebt, axis=0, keepdims=True)
        xe = lax.dot_general(xm2, ebt, (((1,), (0,)), ((), ())),
                             preferred_element_type=jnp.float32)
        dist = xe + e2
        vmin = jnp.min(dist, axis=1, keepdims=True)
        jidx = lax.broadcasted_iota(jnp.int32, (_T, _C), 1) + kc * _C
        masked = jnp.where(dist == vmin, jidx, jnp.int32(2147483647))
        imin = jnp.min(masked, axis=1, keepdims=True)
        if best is None:
            best, bidx = vmin, imin
        else:
            take = vmin < best
            bidx = jnp.where(take, imin, bidx)
            best = jnp.where(take, vmin, best)

    idx_ref[0] = bidx

    @pl.when(i == 0)
    def _():
        loss_ref[...] = jnp.zeros((1, 1), jnp.float32)

    loss_ref[...] += jnp.sum(best + x2, keepdims=True)


def _dist_argmin(x3, cbt):
    nb = x3.shape[0]
    return pl.pallas_call(
        _dist_argmin_body,
        grid=(nb,),
        in_specs=[
            pl.BlockSpec((1, _T, _D), lambda i: (i, 0, 0)),
            pl.BlockSpec((_D, _K), lambda i: (0, 0)),
        ],
        out_specs=[
            pl.BlockSpec((1, _T, 1), lambda i: (i, 0, 0)),
            pl.BlockSpec((1, 1), lambda i: (0, 0)),
        ],
        out_shape=[
            jax.ShapeDtypeStruct((nb, _T, 1), jnp.int32),
            jax.ShapeDtypeStruct((1, 1), jnp.float32),
        ],
    )(x3, cbt)


def _gather_body(table_hbm, idx_hbm, out_hbm, idx_v, rows_v, sem):
    wid = lax.axis_index("s") * _NC + lax.axis_index("c")
    nchunk = idx_v.shape[0]
    bpw = nchunk * _GCHUNK
    pltpu.sync_copy(idx_hbm.at[wid], idx_v)
    copies = []
    for j in range(nchunk):
        copies.append(pltpu.async_copy(
            table_hbm.at[idx_v.at[j]],
            rows_v.at[pl.ds(j * _GCHUNK, _GCHUNK)],
            sem,
        ))
    for c in copies:
        c.wait()
    pltpu.sync_copy(rows_v, out_hbm.at[pl.ds(wid * bpw, bpw)])


def _make_gather(n_tokens):
    bpw = n_tokens // _NW
    nchunk = bpw // _GCHUNK
    mesh = plsc.VectorSubcoreMesh(core_axis_name="c", subcore_axis_name="s")
    return pl.kernel(
        _gather_body,
        out_type=jax.ShapeDtypeStruct((n_tokens, _D), jnp.float32),
        mesh=mesh,
        scratch_types=[
            pltpu.VMEM((nchunk, _GCHUNK), jnp.int32),
            pltpu.VMEM((bpw, _D), jnp.float32),
            pltpu.SemaphoreType.DMA,
        ],
        compiler_params=pltpu.CompilerParams(use_tc_tiling_on_sc=False),
    )


def kernel(x, codebook):
    xf = x.reshape(-1, _D)
    n = xf.shape[0]
    half = n // 2
    nbh = half // _T
    cbt = codebook.T
    gather = _make_gather(half)
    idxs, xqs, losses = [], [], []
    for p in range(2):
        part = xf[p * half:(p + 1) * half]
        idx3, loss = _dist_argmin(part.reshape(nbh, _T, _D), cbt)
        idxp = idx3.reshape(half)
        xqs.append(gather(codebook, idxp.reshape(_NW, -1, _GCHUNK)))
        idxs.append(idxp)
        losses.append(loss[0, 0])
    idx = jnp.concatenate(idxs)
    x_q = jnp.concatenate(xqs).reshape(x.shape)
    vq_loss = ((losses[0] + losses[1])
               * jnp.float32((1.0 + _BETA) / (n * _D))).reshape(())
    return (x_q, idx, vq_loss)

# --- scband reference (transcript-rebuilt; emitter-appended) ---
"""Pipeline reference for scband-vector-quantizer-26439818674910 (READ-ONLY COPY).

The authoritative reference and input builder live on the scoring server;
editing this copy changes nothing except your own understanding.
"""

import jax, jax.numpy as jnp
import numpy as np

K = 8192
D = 64
BETA = 0.25

def setup_inputs(seed: int = 0) -> dict:
    key = jax.random.key(seed)
    k1, k2 = jax.random.split(key)
    x = jax.random.normal(k1, (32, 1024, 64), dtype=jnp.float32)
    codebook = jax.random.uniform(k2, (K, D), dtype=jnp.float32, minval=-1.0 / K, maxval=1.0 / K)
    return {"x": x, "codebook": codebook}

def reference(x, codebook):
    x_flat = x.reshape(-1, D)
    x2 = jnp.sum(x_flat ** 2, axis=1, keepdims=True)
    e2 = jnp.sum(codebook ** 2, axis=1)[None, :]
    xe = x_flat @ codebook.T
    dist = x2 + e2 - 2.0 * xe
    idx = jnp.argmin(dist, axis=1)
    x_q = jnp.take(codebook, idx, axis=0).reshape(x.shape)
    x_q_st = x + jax.lax.stop_gradient(x_q - x)
    loss_codebook = jnp.mean((x_q - jax.lax.stop_gradient(x)) ** 2)
    loss_commit = jnp.mean((x - jax.lax.stop_gradient(x_q)) ** 2)
    vq_loss = loss_codebook + BETA * loss_commit
    return (x_q_st, idx, vq_loss)

if __name__ == "__main__":
    import jax
    _d = setup_inputs()
    print(jax.jit(kernel)(*tuple(_d.values())))

</pallas_src>

<mosaic_0001>
#map = affine_map<(d0, d1) -> (0, 0)>
#map1 = affine_map<(d0, d1) -> (0, 0, 0)>
module attributes {stable_mosaic.version = 14 : i64} {
  func.func @_gather_body(%arg0: i32, %arg1: i32, %arg2: memref<8192x64xf32, #tpu.memory_space<hbm>>, %arg3: memref<32x4x128xi32, #tpu.memory_space<hbm>>, %arg4: memref<16384x64xf32, #tpu.memory_space<hbm>>, %arg5: memref<4x128xi32, #tpu.memory_space<vmem>>, %arg6: memref<512x64xf32, #tpu.memory_space<vmem>>, %arg7: memref<!tpu.dma_semaphore, #tpu.memory_space<semaphore_mem>>) attributes {dimension_semantics = [#tpu.dimension_semantics<core_parallel>, #tpu.dimension_semantics<subcore_parallel>], iteration_bounds = array<i64: 2, 16>, scalar_prefetch = 0 : i64, scratch_operands = 3 : i64, tpu.core_type = #tpu.core_type<sc_vector_subcore>, window_params = [{transform_indices = #map}, {transform_indices = #map1}, {transform_indices = #map}]} {
    %mul3A = arith.constant 2 : i32
    %mul3A_0 = arith.muli %arg1, %mul3A : i32
    %add3A = arith.addi %mul3A_0, %arg0 : i32
    "tpu.region"() ({
      %run_scoped3A = tpu.sem_alloc : memref<!tpu.dma_semaphore, #tpu.memory_space<semaphore_mem>>
      %dma_start3A_81 = arith.constant 0 : i32
      %dma_start3A_82 = arith.constant 0 : i32
      %dma_start3A_83 = tpu.memref_slice %arg3[%add3A, %dma_start3A_81, %dma_start3A_82] : memref<32x4x128xi32, #tpu.memory_space<hbm>> -> memref<1x4x128xi32, #tpu.memory_space<hbm>>
      %dma_start3A_84 = tpu.memref_squeeze %dma_start3A_83 : memref<1x4x128xi32, #tpu.memory_space<hbm>> -> memref<4x128xi32, #tpu.memory_space<hbm>>
      %dma_start3A_85 = arith.constant 0 : i32
      %dma_start3A_86 = arith.constant 0 : i32
      %dma_start3A_87 = tpu.memref_slice %arg3[%add3A, %dma_start3A_85, %dma_start3A_86] : memref<32x4x128xi32, #tpu.memory_space<hbm>> -> memref<1x4x128xi32, #tpu.memory_space<hbm>>
      %dma_start3A_88 = tpu.memref_squeeze %dma_start3A_87 : memref<1x4x128xi32, #tpu.memory_space<hbm>> -> memref<4x128xi32, #tpu.memory_space<hbm>>
      tpu.enqueue_dma source(%dma_start3A_88 : memref<4x128xi32, #tpu.memory_space<hbm>>) target(%arg5 : memref<4x128xi32, #tpu.memory_space<vmem>>) target_semaphore(%run_scoped3A : memref<!tpu.dma_semaphore, #tpu.memory_space<semaphore_mem>>)
      %dma_wait3A_89 = arith.constant 0 : i32
      %dma_wait3A_90 = arith.constant 0 : i32
      %dma_wait3A_91 = tpu.memref_slice %arg3[%add3A, %dma_wait3A_89, %dma_wait3A_90] : memref<32x4x128xi32, #tpu.memory_space<hbm>> -> memref<1x4x128xi32, #tpu.memory_space<hbm>>
      %dma_wait3A_92 = tpu.memref_squeeze %dma_wait3A_91 : memref<1x4x128xi32, #tpu.memory_space<hbm>> -> memref<4x128xi32, #tpu.memory_space<hbm>>
      %dma_wait3A_93 = arith.constant 0 : i32
      %dma_wait3A_94 = arith.constant 0 : i32
      %dma_wait3A_95 = tpu.memref_slice %arg3[%add3A, %dma_wait3A_93, %dma_wait3A_94] : memref<32x4x128xi32, #tpu.memory_space<hbm>> -> memref<1x4x128xi32, #tpu.memory_space<hbm>>
      %dma_wait3A_96 = tpu.memref_squeeze %dma_wait3A_95 : memref<1x4x128xi32, #tpu.memory_space<hbm>> -> memref<4x128xi32, #tpu.memory_space<hbm>>
      tpu.wait_dma2 semaphore(%run_scoped3A : memref<!tpu.dma_semaphore, #tpu.memory_space<semaphore_mem>>) src(%dma_wait3A_96 : memref<4x128xi32, #tpu.memory_space<hbm>>) dst(%arg5 : memref<4x128xi32, #tpu.memory_space<vmem>>)
      tpu.yield
    }) : () -> ()
    %dma_start3A = arith.constant 0 : i32
    %dma_start3A_1 = arith.constant 0 : i32
    %dma_start3A_2 = arith.constant 0 : i32
    %dma_start3A_3 = tpu.memref_slice %arg6[%dma_start3A_1, %dma_start3A_2] : memref<512x64xf32, #tpu.memory_space<vmem>> -> memref<128x64xf32, #tpu.memory_space<vmem>>
    %dma_start3A_4 = arith.constant 0 : i32
    %dma_start3A_5 = tpu.memref_slice %arg5[%dma_start3A, %dma_start3A_4] : memref<4x128xi32, #tpu.memory_space<vmem>> -> memref<1x128xi32, #tpu.memory_space<vmem>>
    %dma_start3A_6 = tpu.memref_squeeze %dma_start3A_5 : memref<1x128xi32, #tpu.memory_space<vmem>> -> memref<128xi32, #tpu.memory_space<vmem>>
    %dma_start3A_7 = arith.constant 0 : i32
    %dma_start3A_8 = arith.constant 0 : i32
    %dma_start3A_9 = tpu.memref_slice %arg2[%dma_start3A_7, %dma_start3A_8] : memref<8192x64xf32, #tpu.memory_space<hbm>> -> memref<8192x64xf32, #tpu.memory_space<hbm>>
    tpu.enqueue_indirect_dma source(%dma_start3A_9 : memref<8192x64xf32, #tpu.memory_space<hbm>>) target(%dma_start3A_3 : memref<128x64xf32, #tpu.memory_space<vmem>>) offsets(%dma_start3A_6 : memref<128xi32, #tpu.memory_space<vmem>>) semaphore(%arg7 : memref<!tpu.dma_semaphore, #tpu.memory_space<semaphore_mem>>)
    %dma_start3A_10 = arith.constant 1 : i32
    %dma_start3A_11 = arith.constant 128 : i32
    %dma_start3A_12 = arith.constant 0 : i32
    %dma_start3A_13 = tpu.memref_slice %arg6[%dma_start3A_11, %dma_start3A_12] : memref<512x64xf32, #tpu.memory_space<vmem>> -> memref<128x64xf32, #tpu.memory_space<vmem>>
    %dma_start3A_14 = arith.constant 0 : i32
    %dma_start3A_15 = tpu.memref_slice %arg5[%dma_start3A_10, %dma_start3A_14] : memref<4x128xi32, #tpu.memory_space<vmem>> -> memref<1x128xi32, #tpu.memory_space<vmem>>
    %dma_start3A_16 = tpu.memref_squeeze %dma_start3A_15 : memref<1x128xi32, #tpu.memory_space<vmem>> -> memref<128xi32, #tpu.memory_space<vmem>>
    %dma_start3A_17 = arith.constant 0 : i32
    %dma_start3A_18 = arith.constant 0 : i32
    %dma_start3A_19 = tpu.memref_slice %arg2[%dma_start3A_17, %dma_start3A_18] : memref<8192x64xf32, #tpu.memory_space<hbm>> -> memref<8192x64xf32, #tpu.memory_space<hbm>>
    tpu.enqueue_indirect_dma source(%dma_start3A_19 : memref<8192x64xf32, #tpu.memory_space<hbm>>) target(%dma_start3A_13 : memref<128x64xf32, #tpu.memory_space<vmem>>) offsets(%dma_start3A_16 : memref<128xi32, #tpu.memory_space<vmem>>) semaphore(%arg7 : memref<!tpu.dma_semaphore, #tpu.memory_space<semaphore_mem>>)
    %dma_start3A_20 = arith.constant 2 : i32
    %dma_start3A_21 = arith.constant 256 : i32
    %dma_start3A_22 = arith.constant 0 : i32
    %dma_start3A_23 = tpu.memref_slice %arg6[%dma_start3A_21, %dma_start3A_22] : memref<512x64xf32, #tpu.memory_space<vmem>> -> memref<128x64xf32, #tpu.memory_space<vmem>>
    %dma_start3A_24 = arith.constant 0 : i32
    %dma_start3A_25 = tpu.memref_slice %arg5[%dma_start3A_20, %dma_start3A_24] : memref<4x128xi32, #tpu.memory_space<vmem>> -> memref<1x128xi32, #tpu.memory_space<vmem>>
    %dma_start3A_26 = tpu.memref_squeeze %dma_start3A_25 : memref<1x128xi32, #tpu.memory_space<vmem>> -> memref<128xi32, #tpu.memory_space<vmem>>
    %dma_start3A_27 = arith.constant 0 : i32
    %dma_start3A_28 = arith.constant 0 : i32
    %dma_start3A_29 = tpu.memref_slice %arg2[%dma_start3A_27, %dma_start3A_28] : memref<8192x64xf32, #tpu.memory_space<hbm>> -> memref<8192x64xf32, #tpu.memory_space<hbm>>
    tpu.enqueue_indirect_dma source(%dma_start3A_29 : memref<8192x64xf32, #tpu.memory_space<hbm>>) target(%dma_start3A_23 : memref<128x64xf32, #tpu.memory_space<vmem>>) offsets(%dma_start3A_26 : memref<128xi32, #tpu.memory_space<vmem>>) semaphore(%arg7 : memref<!tpu.dma_semaphore, #tpu.memory_space<semaphore_mem>>)
    %dma_start3A_30 = arith.constant 3 : i32
    %dma_start3A_31 = arith.constant 384 : i32
    %dma_start3A_32 = arith.constant 0 : i32
    %dma_start3A_33 = tpu.memref_slice %arg6[%dma_start3A_31, %dma_start3A_32] : memref<512x64xf32, #tpu.memory_space<vmem>> -> memref<128x64xf32, #tpu.memory_space<vmem>>
    %dma_start3A_34 = arith.constant 0 : i32
    %dma_start3A_35 = tpu.memref_slice %arg5[%dma_start3A_30, %dma_start3A_34] : memref<4x128xi32, #tpu.memory_space<vmem>> -> memref<1x128xi32, #tpu.memory_space<vmem>>
    %dma_start3A_36 = tpu.memref_squeeze %dma_start3A_35 : memref<1x128xi32, #tpu.memory_space<vmem>> -> memref<128xi32, #tpu.memory_space<vmem>>
    %dma_start3A_37 = arith.constant 0 : i32
    %dma_start3A_38 = arith.constant 0 : i32
    %dma_start3A_39 = tpu.memref_slice %arg2[%dma_start3A_37, %dma_start3A_38] : memref<8192x64xf32, #tpu.memory_space<hbm>> -> memref<8192x64xf32, #tpu.memory_space<hbm>>
    tpu.enqueue_indirect_dma source(%dma_start3A_39 : memref<8192x64xf32, #tpu.memory_space<hbm>>) target(%dma_start3A_33 : memref<128x64xf32, #tpu.memory_space<vmem>>) offsets(%dma_start3A_36 : memref<128xi32, #tpu.memory_space<vmem>>) semaphore(%arg7 : memref<!tpu.dma_semaphore, #tpu.memory_space<semaphore_mem>>)
    %dma_wait3A = arith.constant 0 : i32
    %dma_wait3A_40 = arith.constant 0 : i32
    %dma_wait3A_41 = arith.constant 0 : i32
    %dma_wait3A_42 = tpu.memref_slice %arg6[%dma_wait3A_40, %dma_wait3A_41] : memref<512x64xf32, #tpu.memory_space<vmem>> -> memref<128x64xf32, #tpu.memory_space<vmem>>
    %dma_wait3A_43 = arith.constant 0 : i32
    %dma_wait3A_44 = tpu.memref_slice %arg5[%dma_wait3A, %dma_wait3A_43] : memref<4x128xi32, #tpu.memory_space<vmem>> -> memref<1x128xi32, #tpu.memory_space<vmem>>
    %dma_wait3A_45 = tpu.memref_squeeze %dma_wait3A_44 : memref<1x128xi32, #tpu.memory_space<vmem>> -> memref<128xi32, #tpu.memory_space<vmem>>
    %dma_wait3A_46 = arith.constant 0 : i32
    %dma_wait3A_47 = arith.constant 0 : i32
    %dma_wait3A_48 = tpu.memref_slice %arg2[%dma_wait3A_46, %dma_wait3A_47] : memref<8192x64xf32, #tpu.memory_space<hbm>> -> memref<8192x64xf32, #tpu.memory_space<hbm>>
    tpu.wait_indirect_dma semaphore(%arg7 : memref<!tpu.dma_semaphore, #tpu.memory_space<semaphore_mem>>) src(%dma_wait3A_48 : memref<8192x64xf32, #tpu.memory_space<hbm>>) dst(%dma_wait3A_42 : memref<128x64xf32, #tpu.memory_space<vmem>>)
    %dma_wait3A_49 = arith.constant 1 : i32
    %dma_wait3A_50 = arith.constant 128 : i32
    %dma_wait3A_51 = arith.constant 0 : i32
    %dma_wait3A_52 = tpu.memref_slice %arg6[%dma_wait3A_50, %dma_wait3A_51] : memref<512x64xf32, #tpu.memory_space<vmem>> -> memref<128x64xf32, #tpu.memory_space<vmem>>
    %dma_wait3A_53 = arith.constant 0 : i32
    %dma_wait3A_54 = tpu.memref_slice %arg5[%dma_wait3A_49, %dma_wait3A_53] : memref<4x128xi32, #tpu.memory_space<vmem>> -> memref<1x128xi32, #tpu.memory_space<vmem>>
    %dma_wait3A_55 = tpu.memref_squeeze %dma_wait3A_54 : memref<1x128xi32, #tpu.memory_space<vmem>> -> memref<128xi32, #tpu.memory_space<vmem>>
    %dma_wait3A_56 = arith.constant 0 : i32
    %dma_wait3A_57 = arith.constant 0 : i32
    %dma_wait3A_58 = tpu.memref_slice %arg2[%dma_wait3A_56, %dma_wait3A_57] : memref<8192x64xf32, #tpu.memory_space<hbm>> -> memref<8192x64xf32, #tpu.memory_space<hbm>>
    tpu.wait_indirect_dma semaphore(%arg7 : memref<!tpu.dma_semaphore, #tpu.memory_space<semaphore_mem>>) src(%dma_wait3A_58 : memref<8192x64xf32, #tpu.memory_space<hbm>>) dst(%dma_wait3A_52 : memref<128x64xf32, #tpu.memory_space<vmem>>)
    %dma_wait3A_59 = arith.constant 2 : i32
    %dma_wait3A_60 = arith.constant 256 : i32
    %dma_wait3A_61 = arith.constant 0 : i32
    %dma_wait3A_62 = tpu.memref_slice %arg6[%dma_wait3A_60, %dma_wait3A_61] : memref<512x64xf32, #tpu.memory_space<vmem>> -> memref<128x64xf32, #tpu.memory_space<vmem>>
    %dma_wait3A_63 = arith.constant 0 : i32
    %dma_wait3A_64 = tpu.memref_slice %arg5[%dma_wait3A_59, %dma_wait3A_63] : memref<4x128xi32, #tpu.memory_space<vmem>> -> memref<1x128xi32, #tpu.memory_space<vmem>>
    %dma_wait3A_65 = tpu.memref_squeeze %dma_wait3A_64 : memref<1x128xi32, #tpu.memory_space<vmem>> -> memref<128xi32, #tpu.memory_space<vmem>>
    %dma_wait3A_66 = arith.constant 0 : i32
    %dma_wait3A_67 = arith.constant 0 : i32
    %dma_wait3A_68 = tpu.memref_slice %arg2[%dma_wait3A_66, %dma_wait3A_67] : memref<8192x64xf32, #tpu.memory_space<hbm>> -> memref<8192x64xf32, #tpu.memory_space<hbm>>
    tpu.wait_indirect_dma semaphore(%arg7 : memref<!tpu.dma_semaphore, #tpu.memory_space<semaphore_mem>>) src(%dma_wait3A_68 : memref<8192x64xf32, #tpu.memory_space<hbm>>) dst(%dma_wait3A_62 : memref<128x64xf32, #tpu.memory_space<vmem>>)
    %dma_wait3A_69 = arith.constant 3 : i32
    %dma_wait3A_70 = arith.constant 384 : i32
    %dma_wait3A_71 = arith.constant 0 : i32
    %dma_wait3A_72 = tpu.memref_slice %arg6[%dma_wait3A_70, %dma_wait3A_71] : memref<512x64xf32, #tpu.memory_space<vmem>> -> memref<128x64xf32, #tpu.memory_space<vmem>>
    %dma_wait3A_73 = arith.constant 0 : i32
    %dma_wait3A_74 = tpu.memref_slice %arg5[%dma_wait3A_69, %dma_wait3A_73] : memref<4x128xi32, #tpu.memory_space<vmem>> -> memref<1x128xi32, #tpu.memory_space<vmem>>
    %dma_wait3A_75 = tpu.memref_squeeze %dma_wait3A_74 : memref<1x128xi32, #tpu.memory_space<vmem>> -> memref<128xi32, #tpu.memory_space<vmem>>
    %dma_wait3A_76 = arith.constant 0 : i32
    %dma_wait3A_77 = arith.constant 0 : i32
    %dma_wait3A_78 = tpu.memref_slice %arg2[%dma_wait3A_76, %dma_wait3A_77] : memref<8192x64xf32, #tpu.memory_space<hbm>> -> memref<8192x64xf32, #tpu.memory_space<hbm>>
    tpu.wait_indirect_dma semaphore(%arg7 : memref<!tpu.dma_semaphore, #tpu.memory_space<semaphore_mem>>) src(%dma_wait3A_78 : memref<8192x64xf32, #tpu.memory_space<hbm>>) dst(%dma_wait3A_72 : memref<128x64xf32, #tpu.memory_space<vmem>>)
    %mul3A_79 = arith.constant 512 : i32
    %mul3A_80 = arith.muli %add3A, %mul3A_79 : i32
    "tpu.region"() ({
      %run_scoped3A = tpu.sem_alloc : memref<!tpu.dma_semaphore, #tpu.memory_space<semaphore_mem>>
      %dma_start3A_81 = arith.constant 0 : i32
      %dma_start3A_82 = tpu.memref_slice %arg4[%mul3A_80, %dma_start3A_81] : memref<16384x64xf32, #tpu.memory_space<hbm>> -> memref<512x64xf32, #tpu.memory_space<hbm>>
      %dma_start3A_83 = arith.constant 0 : i32
      %dma_start3A_84 = tpu.memref_slice %arg4[%mul3A_80, %dma_start3A_83] : memref<16384x64xf32, #tpu.memory_space<hbm>> -> memref<512x64xf32, #tpu.memory_space<hbm>>
      tpu.enqueue_dma source(%arg6 : memref<512x64xf32, #tpu.memory_space<vmem>>) target(%dma_start3A_84 : memref<512x64xf32, #tpu.memory_space<hbm>>) target_semaphore(%run_scoped3A : memref<!tpu.dma_semaphore, #tpu.memory_space<semaphore_mem>>)
      %dma_wait3A_85 = arith.constant 0 : i32
      %dma_wait3A_86 = tpu.memref_slice %arg4[%mul3A_80, %dma_wait3A_85] : memref<16384x64xf32, #tpu.memory_space<hbm>> -> memref<512x64xf32, #tpu.memory_space<hbm>>
      %dma_wait3A_87 = arith.constant 0 : i32
      %dma_wait3A_88 = tpu.memref_slice %arg4[%mul3A_80, %dma_wait3A_87] : memref<16384x64xf32, #tpu.memory_space<hbm>> -> memref<512x64xf32, #tpu.memory_space<hbm>>
      tpu.wait_dma2 semaphore(%run_scoped3A : memref<!tpu.dma_semaphore, #tpu.memory_space<semaphore_mem>>) src(%arg6 : memref<512x64xf32, #tpu.memory_space<vmem>>) dst(%dma_wait3A_88 : memref<512x64xf32, #tpu.memory_space<hbm>>)
      tpu.yield
    }) : () -> ()
    return
  }
}

#map = affine_map<(d0, d1) -> (0, 0)>
#map1 = affine_map<(d0, d1) -> (0, 0, 0)>
module attributes {stable_mosaic.version = 14 : i64} {
  func.func @_gather_body(%arg0: i32, %arg1: i32, %arg2: memref<8192x64xf32, #tpu.memory_space<hbm>>, %arg3: memref<32x4x128xi32, #tpu.memory_space<hbm>>, %arg4: memref<16384x64xf32, #tpu.memory_space<hbm>>, %arg5: memref<4x128xi32, #tpu.memory_space<vmem>>, %arg6: memref<512x64xf32, #tpu.memory_space<vmem>>, %arg7: memref<!tpu.dma_semaphore, #tpu.memory_space<semaphore_mem>>) attributes {dimension_semantics = [#tpu.dimension_semantics<core_parallel>, #tpu.dimension_semantics<subcore_parallel>], iteration_bounds = array<i64: 2, 16>, scalar_prefetch = 0 : i64, scratch_operands = 3 : i64, tpu.core_type = #tpu.core_type<sc_vector_subcore>, window_params = [{transform_indices = #map}, {transform_indices = #map1}, {transform_indices = #map}]} {
    %mul3A = arith.constant 2 : i32
    %mul3A_0 = arith.muli %arg1, %mul3A : i32
    %add3A = arith.addi %mul3A_0, %arg0 : i32
    "tpu.region"() ({
      %run_scoped3A = tpu.sem_alloc : memref<!tpu.dma_semaphore, #tpu.memory_space<semaphore_mem>>
      %dma_start3A_81 = arith.constant 0 : i32
      %dma_start3A_82 = arith.constant 0 : i32
      %dma_start3A_83 = tpu.memref_slice %arg3[%add3A, %dma_start3A_81, %dma_start3A_82] : memref<32x4x128xi32, #tpu.memory_space<hbm>> -> memref<1x4x128xi32, #tpu.memory_space<hbm>>
      %dma_start3A_84 = tpu.memref_squeeze %dma_start3A_83 : memref<1x4x128xi32, #tpu.memory_space<hbm>> -> memref<4x128xi32, #tpu.memory_space<hbm>>
      %dma_start3A_85 = arith.constant 0 : i32
      %dma_start3A_86 = arith.constant 0 : i32
      %dma_start3A_87 = tpu.memref_slice %arg3[%add3A, %dma_start3A_85, %dma_start3A_86] : memref<32x4x128xi32, #tpu.memory_space<hbm>> -> memref<1x4x128xi32, #tpu.memory_space<hbm>>
      %dma_start3A_88 = tpu.memref_squeeze %dma_start3A_87 : memref<1x4x128xi32, #tpu.memory_space<hbm>> -> memref<4x128xi32, #tpu.memory_space<hbm>>
      tpu.enqueue_dma source(%dma_start3A_88 : memref<4x128xi32, #tpu.memory_space<hbm>>) target(%arg5 : memref<4x128xi32, #tpu.memory_space<vmem>>) target_semaphore(%run_scoped3A : memref<!tpu.dma_semaphore, #tpu.memory_space<semaphore_mem>>)
      %dma_wait3A_89 = arith.constant 0 : i32
      %dma_wait3A_90 = arith.constant 0 : i32
      %dma_wait3A_91 = tpu.memref_slice %arg3[%add3A, %dma_wait3A_89, %dma_wait3A_90] : memref<32x4x128xi32, #tpu.memory_space<hbm>> -> memref<1x4x128xi32, #tpu.memory_space<hbm>>
      %dma_wait3A_92 = tpu.memref_squeeze %dma_wait3A_91 : memref<1x4x128xi32, #tpu.memory_space<hbm>> -> memref<4x128xi32, #tpu.memory_space<hbm>>
      %dma_wait3A_93 = arith.constant 0 : i32
      %dma_wait3A_94 = arith.constant 0 : i32
      %dma_wait3A_95 = tpu.memref_slice %arg3[%add3A, %dma_wait3A_93, %dma_wait3A_94] : memref<32x4x128xi32, #tpu.memory_space<hbm>> -> memref<1x4x128xi32, #tpu.memory_space<hbm>>
      %dma_wait3A_96 = tpu.memref_squeeze %dma_wait3A_95 : memref<1x4x128xi32, #tpu.memory_space<hbm>> -> memref<4x128xi32, #tpu.memory_space<hbm>>
      tpu.wait_dma2 semaphore(%run_scoped3A : memref<!tpu.dma_semaphore, #tpu.memory_space<semaphore_mem>>) src(%dma_wait3A_96 : memref<4x128xi32, #tpu.memory_space<hbm>>) dst(%arg5 : memref<4x128xi32, #tpu.memory_space<vmem>>)
      tpu.yield
    }) : () -> ()
    %dma_start3A = arith.constant 0 : i32
    %dma_start3A_1 = arith.constant 0 : i32
    %dma_start3A_2 = arith.constant 0 : i32
    %dma_start3A_3 = tpu.memref_slice %arg6[%dma_start3A_1, %dma_start3A_2] : memref<512x64xf32, #tpu.memory_space<vmem>> -> memref<128x64xf32, #tpu.memory_space<vmem>>
    %dma_start3A_4 = arith.constant 0 : i32
    %dma_start3A_5 = tpu.memref_slice %arg5[%dma_start3A, %dma_start3A_4] : memref<4x128xi32, #tpu.memory_space<vmem>> -> memref<1x128xi32, #tpu.memory_space<vmem>>
    %dma_start3A_6 = tpu.memref_squeeze %dma_start3A_5 : memref<1x128xi32, #tpu.memory_space<vmem>> -> memref<128xi32, #tpu.memory_space<vmem>>
    %dma_start3A_7 = arith.constant 0 : i32
    %dma_start3A_8 = arith.constant 0 : i32
    %dma_start3A_9 = tpu.memref_slice %arg2[%dma_start3A_7, %dma_start3A_8] : memref<8192x64xf32, #tpu.memory_space<hbm>> -> memref<8192x64xf32, #tpu.memory_space<hbm>>
    tpu.enqueue_indirect_dma source(%dma_start3A_9 : memref<8192x64xf32, #tpu.memory_space<hbm>>) target(%dma_start3A_3 : memref<128x64xf32, #tpu.memory_space<vmem>>) offsets(%dma_start3A_6 : memref<128xi32, #tpu.memory_space<vmem>>) semaphore(%arg7 : memref<!tpu.dma_semaphore, #tpu.memory_space<semaphore_mem>>)
    %dma_start3A_10 = arith.constant 1 : i32
    %dma_start3A_11 = arith.constant 128 : i32
    %dma_start3A_12 = arith.constant 0 : i32
    %dma_start3A_13 = tpu.memref_slice %arg6[%dma_start3A_11, %dma_start3A_12] : memref<512x64xf32, #tpu.memory_space<vmem>> -> memref<128x64xf32, #tpu.memory_space<vmem>>
    %dma_start3A_14 = arith.constant 0 : i32
    %dma_start3A_15 = tpu.memref_slice %arg5[%dma_start3A_10, %dma_start3A_14] : memref<4x128xi32, #tpu.memory_space<vmem>> -> memref<1x128xi32, #tpu.memory_space<vmem>>
    %dma_start3A_16 = tpu.memref_squeeze %dma_start3A_15 : memref<1x128xi32, #tpu.memory_space<vmem>> -> memref<128xi32, #tpu.memory_space<vmem>>
    %dma_start3A_17 = arith.constant 0 : i32
    %dma_start3A_18 = arith.constant 0 : i32
    %dma_start3A_19 = tpu.memref_slice %arg2[%dma_start3A_17, %dma_start3A_18] : memref<8192x64xf32, #tpu.memory_space<hbm>> -> memref<8192x64xf32, #tpu.memory_space<hbm>>
    tpu.enqueue_indirect_dma source(%dma_start3A_19 : memref<8192x64xf32, #tpu.memory_space<hbm>>) target(%dma_start3A_13 : memref<128x64xf32, #tpu.memory_space<vmem>>) offsets(%dma_start3A_16 : memref<128xi32, #tpu.memory_space<vmem>>) semaphore(%arg7 : memref<!tpu.dma_semaphore, #tpu.memory_space<semaphore_mem>>)
    %dma_start3A_20 = arith.constant 2 : i32
    %dma_start3A_21 = arith.constant 256 : i32
    %dma_start3A_22 = arith.constant 0 : i32
    %dma_start3A_23 = tpu.memref_slice %arg6[%dma_start3A_21, %dma_start3A_22] : memref<512x64xf32, #tpu.memory_space<vmem>> -> memref<128x64xf32, #tpu.memory_space<vmem>>
    %dma_start3A_24 = arith.constant 0 : i32
    %dma_start3A_25 = tpu.memref_slice %arg5[%dma_start3A_20, %dma_start3A_24] : memref<4x128xi32, #tpu.memory_space<vmem>> -> memref<1x128xi32, #tpu.memory_space<vmem>>
    %dma_start3A_26 = tpu.memref_squeeze %dma_start3A_25 : memref<1x128xi32, #tpu.memory_space<vmem>> -> memref<128xi32, #tpu.memory_space<vmem>>
    %dma_start3A_27 = arith.constant 0 : i32
    %dma_start3A_28 = arith.constant 0 : i32
    %dma_start3A_29 = tpu.memref_slice %arg2[%dma_start3A_27, %dma_start3A_28] : memref<8192x64xf32, #tpu.memory_space<hbm>> -> memref<8192x64xf32, #tpu.memory_space<hbm>>
    tpu.enqueue_indirect_dma source(%dma_start3A_29 : memref<8192x64xf32, #tpu.memory_space<hbm>>) target(%dma_start3A_23 : memref<128x64xf32, #tpu.memory_space<vmem>>) offsets(%dma_start3A_26 : memref<128xi32, #tpu.memory_space<vmem>>) semaphore(%arg7 : memref<!tpu.dma_semaphore, #tpu.memory_space<semaphore_mem>>)
    %dma_start3A_30 = arith.constant 3 : i32
    %dma_start3A_31 = arith.constant 384 : i32
    %dma_start3A_32 = arith.constant 0 : i32
    %dma_start3A_33 = tpu.memref_slice %arg6[%dma_start3A_31, %dma_start3A_32] : memref<512x64xf32, #tpu.memory_space<vmem>> -> memref<128x64xf32, #tpu.memory_space<vmem>>
    %dma_start3A_34 = arith.constant 0 : i32
    %dma_start3A_35 = tpu.memref_slice %arg5[%dma_start3A_30, %dma_start3A_34] : memref<4x128xi32, #tpu.memory_space<vmem>> -> memref<1x128xi32, #tpu.memory_space<vmem>>
    %dma_start3A_36 = tpu.memref_squeeze %dma_start3A_35 : memref<1x128xi32, #tpu.memory_space<vmem>> -> memref<128xi32, #tpu.memory_space<vmem>>
    %dma_start3A_37 = arith.constant 0 : i32
    %dma_start3A_38 = arith.constant 0 : i32
    %dma_start3A_39 = tpu.memref_slice %arg2[%dma_start3A_37, %dma_start3A_38] : memref<8192x64xf32, #tpu.memory_space<hbm>> -> memref<8192x64xf32, #tpu.memory_space<hbm>>
    tpu.enqueue_indirect_dma source(%dma_start3A_39 : memref<8192x64xf32, #tpu.memory_space<hbm>>) target(%dma_start3A_33 : memref<128x64xf32, #tpu.memory_space<vmem>>) offsets(%dma_start3A_36 : memref<128xi32, #tpu.memory_space<vmem>>) semaphore(%arg7 : memref<!tpu.dma_semaphore, #tpu.memory_space<semaphore_mem>>)
    %dma_wait3A = arith.constant 0 : i32
    %dma_wait3A_40 = arith.constant 0 : i32
    %dma_wait3A_41 = arith.constant 0 : i32
    %dma_wait3A_42 = tpu.memref_slice %arg6[%dma_wait3A_40, %dma_wait3A_41] : memref<512x64xf32, #tpu.memory_space<vmem>> -> memref<128x64xf32, #tpu.memory_space<vmem>>
    %dma_wait3A_43 = arith.constant 0 : i32
    %dma_wait3A_44 = tpu.memref_slice %arg5[%dma_wait3A, %dma_wait3A_43] : memref<4x128xi32, #tpu.memory_space<vmem>> -> memref<1x128xi32, #tpu.memory_space<vmem>>
    %dma_wait3A_45 = tpu.memref_squeeze %dma_wait3A_44 : memref<1x128xi32, #tpu.memory_space<vmem>> -> memref<128xi32, #tpu.memory_space<vmem>>
    %dma_wait3A_46 = arith.constant 0 : i32
    %dma_wait3A_47 = arith.constant 0 : i32
    %dma_wait3A_48 = tpu.memref_slice %arg2[%dma_wait3A_46, %dma_wait3A_47] : memref<8192x64xf32, #tpu.memory_space<hbm>> -> memref<8192x64xf32, #tpu.memory_space<hbm>>
    tpu.wait_indirect_dma semaphore(%arg7 : memref<!tpu.dma_semaphore, #tpu.memory_space<semaphore_mem>>) src(%dma_wait3A_48 : memref<8192x64xf32, #tpu.memory_space<hbm>>) dst(%dma_wait3A_42 : memref<128x64xf32, #tpu.memory_space<vmem>>)
    %dma_wait3A_49 = arith.constant 1 : i32
    %dma_wait3A_50 = arith.constant 128 : i32
    %dma_wait3A_51 = arith.constant 0 : i32
    %dma_wait3A_52 = tpu.memref_slice %arg6[%dma_wait3A_50, %dma_wait3A_51] : memref<512x64xf32, #tpu.memory_space<vmem>> -> memref<128x64xf32, #tpu.memory_space<vmem>>
    %dma_wait3A_53 = arith.constant 0 : i32
    %dma_wait3A_54 = tpu.memref_slice %arg5[%dma_wait3A_49, %dma_wait3A_53] : memref<4x128xi32, #tpu.memory_space<vmem>> -> memref<1x128xi32, #tpu.memory_space<vmem>>
    %dma_wait3A_55 = tpu.memref_squeeze %dma_wait3A_54 : memref<1x128xi32, #tpu.memory_space<vmem>> -> memref<128xi32, #tpu.memory_space<vmem>>
    %dma_wait3A_56 = arith.constant 0 : i32
    %dma_wait3A_57 = arith.constant 0 : i32
    %dma_wait3A_58 = tpu.memref_slice %arg2[%dma_wait3A_56, %dma_wait3A_57] : memref<8192x64xf32, #tpu.memory_space<hbm>> -> memref<8192x64xf32, #tpu.memory_space<hbm>>
    tpu.wait_indirect_dma semaphore(%arg7 : memref<!tpu.dma_semaphore, #tpu.memory_space<semaphore_mem>>) src(%dma_wait3A_58 : memref<8192x64xf32, #tpu.memory_space<hbm>>) dst(%dma_wait3A_52 : memref<128x64xf32, #tpu.memory_space<vmem>>)
    %dma_wait3A_59 = arith.constant 2 : i32
    %dma_wait3A_60 = arith.constant 256 : i32
    %dma_wait3A_61 = arith.constant 0 : i32
    %dma_wait3A_62 = tpu.memref_slice %arg6[%dma_wait3A_60, %dma_wait3A_61] : memref<512x64xf32, #tpu.memory_space<vmem>> -> memref<128x64xf32, #tpu.memory_space<vmem>>
    %dma_wait3A_63 = arith.constant 0 : i32
    %dma_wait3A_64 = tpu.memref_slice %arg5[%dma_wait3A_59, %dma_wait3A_63] : memref<4x128xi32, #tpu.memory_space<vmem>> -> memref<1x128xi32, #tpu.memory_space<vmem>>
    %dma_wait3A_65 = tpu.memref_squeeze %dma_wait3A_64 : memref<1x128xi32, #tpu.memory_space<vmem>> -> memref<128xi32, #tpu.memory_space<vmem>>
    %dma_wait3A_66 = arith.constant 0 : i32
    %dma_wait3A_67 = arith.constant 0 : i32
    %dma_wait3A_68 = tpu.memref_slice %arg2[%dma_wait3A_66, %dma_wait3A_67] : memref<8192x64xf32, #tpu.memory_space<hbm>> -> memref<8192x64xf32, #tpu.memory_space<hbm>>
    tpu.wait_indirect_dma semaphore(%arg7 : memref<!tpu.dma_semaphore, #tpu.memory_space<semaphore_mem>>) src(%dma_wait3A_68 : memref<8192x64xf32, #tpu.memory_space<hbm>>) dst(%dma_wait3A_62 : memref<128x64xf32, #tpu.memory_space<vmem>>)
    %dma_wait3A_69 = arith.constant 3 : i32
    %dma_wait3A_70 = arith.constant 384 : i32
    %dma_wait3A_71 = arith.constant 0 : i32
    %dma_wait3A_72 = tpu.memref_slice %arg6[%dma_wait3A_70, %dma_wait3A_71] : memref<512x64xf32, #tpu.memory_space<vmem>> -> memref<128x64xf32, #tpu.memory_space<vmem>>
    %dma_wait3A_73 = arith.constant 0 : i32
    %dma_wait3A_74 = tpu.memref_slice %arg5[%dma_wait3A_69, %dma_wait3A_73] : memref<4x128xi32, #tpu.memory_space<vmem>> -> memref<1x128xi32, #tpu.memory_space<vmem>>
    %dma_wait3A_75 = tpu.memref_squeeze %dma_wait3A_74 : memref<1x128xi32, #tpu.memory_space<vmem>> -> memref<128xi32, #tpu.memory_space<vmem>>
    %dma_wait3A_76 = arith.constant 0 : i32
    %dma_wait3A_77 = arith.constant 0 : i32
    %dma_wait3A_78 = tpu.memref_slice %arg2[%dma_wait3A_76, %dma_wait3A_77] : memref<8192x64xf32, #tpu.memory_space<hbm>> -> memref<8192x64xf32, #tpu.memory_space<hbm>>
    tpu.wait_indirect_dma semaphore(%arg7 : memref<!tpu.dma_semaphore, #tpu.memory_space<semaphore_mem>>) src(%dma_wait3A_78 : memref<8192x64xf32, #tpu.memory_space<hbm>>) dst(%dma_wait3A_72 : memref<128x64xf32, #tpu.memory_space<vmem>>)
    %mul3A_79 = arith.constant 512 : i32
    %mul3A_80 = arith.muli %add3A, %mul3A_79 : i32
    "tpu.region"() ({
      %run_scoped3A = tpu.sem_alloc : memref<!tpu.dma_semaphore, #tpu.memory_space<semaphore_mem>>
      %dma_start3A_81 = arith.constant 0 : i32
      %dma_start3A_82 = tpu.memref_slice %arg4[%mul3A_80, %dma_start3A_81] : memref<16384x64xf32, #tpu.memory_space<hbm>> -> memref<512x64xf32, #tpu.memory_space<hbm>>
      %dma_start3A_83 = arith.constant 0 : i32
      %dma_start3A_84 = tpu.memref_slice %arg4[%mul3A_80, %dma_start3A_83] : memref<16384x64xf32, #tpu.memory_space<hbm>> -> memref<512x64xf32, #tpu.memory_space<hbm>>
      tpu.enqueue_dma source(%arg6 : memref<512x64xf32, #tpu.memory_space<vmem>>) target(%dma_start3A_84 : memref<512x64xf32, #tpu.memory_space<hbm>>) target_semaphore(%run_scoped3A : memref<!tpu.dma_semaphore, #tpu.memory_space<semaphore_mem>>)
      %dma_wait3A_85 = arith.constant 0 : i32
      %dma_wait3A_86 = tpu.memref_slice %arg4[%mul3A_80, %dma_wait3A_85] : memref<16384x64xf32, #tpu.memory_space<hbm>> -> memref<512x64xf32, #tpu.memory_space<hbm>>
      %dma_wait3A_87 = arith.constant 0 : i32
      %dma_wait3A_88 = tpu.memref_slice %arg4[%mul3A_80, %dma_wait3A_87] : memref<16384x64xf32, #tpu.memory_space<hbm>> -> memref<512x64xf32, #tpu.memory_space<hbm>>
      tpu.wait_dma2 semaphore(%run_scoped3A : memref<!tpu.dma_semaphore, #tpu.memory_space<semaphore_mem>>) src(%arg6 : memref<512x64xf32, #tpu.memory_space<vmem>>) dst(%dma_wait3A_88 : memref<512x64xf32, #tpu.memory_space<hbm>>)
      tpu.yield
    }) : () -> ()
    return
  }
}

module attributes {stable_mosaic.version = 14 : i64} {
  func.func @_dist_argmin_body(%arg0: i32, %arg1: memref<1x256x64xf32, #tpu.memory_space<vmem>>, %arg2: memref<64x8192xf32, #tpu.memory_space<vmem>>, %arg3: memref<1x256x1xi32, #tpu.memory_space<vmem>>, %arg4: memref<1x1xf32, #tpu.memory_space<vmem>>) attributes {dimension_semantics = [#tpu.dimension_semantics<arbitrary>], iteration_bounds = array<i64: 64>, scalar_prefetch = 0 : i64, scratch_operands = 0 : i64, tpu.core_type = #tpu.core_type<tc>, window_params = [{transform_indices = @transform_0, window_bounds = array<i64: 1, 256, 64>}, {pipeline_mode = #tpu.pipeline_mode<synchronous>, transform_indices = @transform_1, window_bounds = array<i64: 64, 8192>}, {transform_indices = @transform_2, window_bounds = array<i64: 1, 256, 1>}, {pipeline_mode = #tpu.pipeline_mode<synchronous>, transform_indices = @transform_3, window_bounds = array<i64: 1, 1>}]} {
    %get3A = arith.constant 0 : index
    %get3A_0 = arith.constant 0 : index
    %get3A_1 = arith.constant 0 : index
    %get3A_2 = vector.load %arg1[%get3A, %get3A_0, %get3A_1] : memref<1x256x64xf32, #tpu.memory_space<vmem>>, vector<1x256x64xf32>
    %get3A_3 = vector.shape_cast %get3A_2 : vector<1x256x64xf32> to vector<256x64xf32>
    %mul3A = arith.mulf %get3A_3, %get3A_3 : vector<256x64xf32>
    %reduce_sum3A = arith.constant dense<0.000000e+00> : vector<256xf32>
    %reduce_sum3A_4 = vector.multi_reduction <add>, %mul3A, %reduce_sum3A [1] : vector<256x64xf32> to vector<256xf32>
    %broadcast_in_dim3A = vector.shape_cast %reduce_sum3A_4 : vector<256xf32> to vector<256x1xf32>
    %mul3A_5 = arith.constant -2.000000e+00 : f32
    %mul3A_6 = vector.broadcast %mul3A_5 : f32 to vector<256x64xf32>
    %mul3A_7 = arith.mulf %get3A_3, %mul3A_6 : vector<256x64xf32>
    %get3A_8 = arith.constant 0 : index
    %get3A_9 = arith.constant 0 : index
    %get3A_10 = vector.load %arg2[%get3A_8, %get3A_9] : memref<64x8192xf32, #tpu.memory_space<vmem>>, vector<64x1024xf32>
    %mul3A_11 = arith.mulf %get3A_10, %get3A_10 : vector<64x1024xf32>
    %reduce_sum3A_12 = arith.constant dense<0.000000e+00> : vector<1024xf32>
    %reduce_sum3A_13 = vector.multi_reduction <add>, %mul3A_11, %reduce_sum3A_12 [0] : vector<64x1024xf32> to vector<1024xf32>
    %broadcast_in_dim3A_14 = vector.shape_cast %reduce_sum3A_13 : vector<1024xf32> to vector<1x1024xf32>
    %dot_general3A = arith.constant dense<0.000000e+00> : vector<256x1024xf32>
    %dot_general3A_15 = tpu.matmul %mul3A_7, %get3A_10, %dot_general3A {dimension_numbers = #tpu.dot_dimension_numbers<[1], [0], [0], [1], [0, 0, 1, 1], [], []>, transpose_lhs_hint = false} : vector<256x64xf32>, vector<64x1024xf32>, vector<256x1024xf32> -> vector<256x1024xf32>
    %add3A = vector.broadcast %broadcast_in_dim3A_14 : vector<1x1024xf32> to vector<256x1024xf32>
    %add3A_16 = arith.addf %dot_general3A_15, %add3A : vector<256x1024xf32>
    %reduce_min3A = arith.constant dense<0x7F800000> : vector<256xf32>
    %reduce_min3A_17 = vector.multi_reduction <minimumf>, %add3A_16, %reduce_min3A [1] : vector<256x1024xf32> to vector<256xf32>
    %broadcast_in_dim3A_18 = vector.shape_cast %reduce_min3A_17 : vector<256xf32> to vector<256x1xf32>
    %iota3A = tpu.iota {dimensions = array<i32: 1>} : vector<256x1024xi32>
    %add3A_19 = arith.constant 0 : i32
    %add3A_20 = vector.broadcast %add3A_19 : i32 to vector<256x1024xi32>
    %add3A_21 = arith.addi %iota3A, %add3A_20 : vector<256x1024xi32>
    %eq3A = vector.broadcast %broadcast_in_dim3A_18 : vector<256x1xf32> to vector<256x1024xf32>
    %eq3A_22 = arith.cmpf oeq, %add3A_16, %eq3A : vector<256x1024xf32>
    %jit3A = arith.constant 2147483647 : i32
    %broadcast_in_dim3A_23 = vector.broadcast %jit3A : i32 to vector<256x1024xi32>
    %select_n3A = arith.select %eq3A_22, %add3A_21, %broadcast_in_dim3A_23 : vector<256x1024xi1>, vector<256x1024xi32>
    %reduce_min3A_24 = arith.constant dense<2147483647> : vector<256xi32>
    %reduce_min3A_25 = vector.multi_reduction <minsi>, %select_n3A, %reduce_min3A_24 [1] : vector<256x1024xi32> to vector<256xi32>
    %broadcast_in_dim3A_26 = vector.shape_cast %reduce_min3A_25 : vector<256xi32> to vector<256x1xi32>
    %get3A_27 = arith.constant 0 : index
    %get3A_28 = arith.constant 1024 : index
    %get3A_29 = vector.load %arg2[%get3A_27, %get3A_28] : memref<64x8192xf32, #tpu.memory_space<vmem>>, vector<64x1024xf32>
    %mul3A_30 = arith.mulf %get3A_29, %get3A_29 : vector<64x1024xf32>
    %reduce_sum3A_31 = arith.constant dense<0.000000e+00> : vector<1024xf32>
    %reduce_sum3A_32 = vector.multi_reduction <add>, %mul3A_30, %reduce_sum3A_31 [0] : vector<64x1024xf32> to vector<1024xf32>
    %broadcast_in_dim3A_33 = vector.shape_cast %reduce_sum3A_32 : vector<1024xf32> to vector<1x1024xf32>
    %dot_general3A_34 = arith.constant dense<0.000000e+00> : vector<256x1024xf32>
    %dot_general3A_35 = tpu.matmul %mul3A_7, %get3A_29, %dot_general3A_34 {dimension_numbers = #tpu.dot_dimension_numbers<[1], [0], [0], [1], [0, 0, 1, 1], [], []>, transpose_lhs_hint = false} : vector<256x64xf32>, vector<64x1024xf32>, vector<256x1024xf32> -> vector<256x1024xf32>
    %add3A_36 = vector.broadcast %broadcast_in_dim3A_33 : vector<1x1024xf32> to vector<256x1024xf32>
    %add3A_37 = arith.addf %dot_general3A_35, %add3A_36 : vector<256x1024xf32>
    %reduce_min3A_38 = arith.constant dense<0x7F800000> : vector<256xf32>
    %reduce_min3A_39 = vector.multi_reduction <minimumf>, %add3A_37, %reduce_min3A_38 [1] : vector<256x1024xf32> to vector<256xf32>
    %broadcast_in_dim3A_40 = vector.shape_cast %reduce_min3A_39 : vector<256xf32> to vector<256x1xf32>
    %iota3A_41 = tpu.iota {dimensions = array<i32: 1>} : vector<256x1024xi32>
    %add3A_42 = arith.constant 1024 : i32
    %add3A_43 = vector.broadcast %add3A_42 : i32 to vector<256x1024xi32>
    %add3A_44 = arith.addi %iota3A_41, %add3A_43 : vector<256x1024xi32>
    %eq3A_45 = vector.broadcast %broadcast_in_dim3A_40 : vector<256x1xf32> to vector<256x1024xf32>
    %eq3A_46 = arith.cmpf oeq, %add3A_37, %eq3A_45 : vector<256x1024xf32>
    %jit3A_47 = arith.constant 2147483647 : i32
    %broadcast_in_dim3A_48 = vector.broadcast %jit3A_47 : i32 to vector<256x1024xi32>
    %select_n3A_49 = arith.select %eq3A_46, %add3A_44, %broadcast_in_dim3A_48 : vector<256x1024xi1>, vector<256x1024xi32>
    %reduce_min3A_50 = arith.constant dense<2147483647> : vector<256xi32>
    %reduce_min3A_51 = vector.multi_reduction <minsi>, %select_n3A_49, %reduce_min3A_50 [1] : vector<256x1024xi32> to vector<256xi32>
    %broadcast_in_dim3A_52 = vector.shape_cast %reduce_min3A_51 : vector<256xi32> to vector<256x1xi32>
    %lt3A = arith.cmpf olt, %broadcast_in_dim3A_40, %broadcast_in_dim3A_18 : vector<256x1xf32>
    %select_n3A_53 = arith.select %lt3A, %broadcast_in_dim3A_52, %broadcast_in_dim3A_26 : vector<256x1xi1>, vector<256x1xi32>
    %select_n3A_54 = arith.select %lt3A, %broadcast_in_dim3A_40, %broadcast_in_dim3A_18 : vector<256x1xi1>, vector<256x1xf32>
    %get3A_55 = arith.constant 0 : index
    %get3A_56 = arith.constant 2048 : index
    %get3A_57 = vector.load %arg2[%get3A_55, %get3A_56] : memref<64x8192xf32, #tpu.memory_space<vmem>>, vector<64x1024xf32>
    %mul3A_58 = arith.mulf %get3A_57, %get3A_57 : vector<64x1024xf32>
    %reduce_sum3A_59 = arith.constant dense<0.000000e+00> : vector<1024xf32>
    %reduce_sum3A_60 = vector.multi_reduction <add>, %mul3A_58, %reduce_sum3A_59 [0] : vector<64x1024xf32> to vector<1024xf32>
    %broadcast_in_dim3A_61 = vector.shape_cast %reduce_sum3A_60 : vector<1024xf32> to vector<1x1024xf32>
    %dot_general3A_62 = arith.constant dense<0.000000e+00> : vector<256x1024xf32>
    %dot_general3A_63 = tpu.matmul %mul3A_7, %get3A_57, %dot_general3A_62 {dimension_numbers = #tpu.dot_dimension_numbers<[1], [0], [0], [1], [0, 0, 1, 1], [], []>, transpose_lhs_hint = false} : vector<256x64xf32>, vector<64x1024xf32>, vector<256x1024xf32> -> vector<256x1024xf32>
    %add3A_64 = vector.broadcast %broadcast_in_dim3A_61 : vector<1x1024xf32> to vector<256x1024xf32>
    %add3A_65 = arith.addf %dot_general3A_63, %add3A_64 : vector<256x1024xf32>
    %reduce_min3A_66 = arith.constant dense<0x7F800000> : vector<256xf32>
    %reduce_min3A_67 = vector.multi_reduction <minimumf>, %add3A_65, %reduce_min3A_66 [1] : vector<256x1024xf32> to vector<256xf32>
    %broadcast_in_dim3A_68 = vector.shape_cast %reduce_min3A_67 : vector<256xf32> to vector<256x1xf32>
    %iota3A_69 = tpu.iota {dimensions = array<i32: 1>} : vector<256x1024xi32>
    %add3A_70 = arith.constant 2048 : i32
    %add3A_71 = vector.broadcast %add3A_70 : i32 to vector<256x1024xi32>
    %add3A_72 = arith.addi %iota3A_69, %add3A_71 : vector<256x1024xi32>
    %eq3A_73 = vector.broadcast %broadcast_in_dim3A_68 : vector<256x1xf32> to vector<256x1024xf32>
    %eq3A_74 = arith.cmpf oeq, %add3A_65, %eq3A_73 : vector<256x1024xf32>
    %jit3A_75 = arith.constant 2147483647 : i32
    %broadcast_in_dim3A_76 = vector.broadcast %jit3A_75 : i32 to vector<256x1024xi32>
    %select_n3A_77 = arith.select %eq3A_74, %add3A_72, %broadcast_in_dim3A_76 : vector<256x1024xi1>, vector<256x1024xi32>
    %reduce_min3A_78 = arith.constant dense<2147483647> : vector<256xi32>
    %reduce_min3A_79 = vector.multi_reduction <minsi>, %select_n3A_77, %reduce_min3A_78 [1] : vector<256x1024xi32> to vector<256xi32>
    %broadcast_in_dim3A_80 = vector.shape_cast %reduce_min3A_79 : vector<256xi32> to vector<256x1xi32>
    %lt3A_81 = arith.cmpf olt, %broadcast_in_dim3A_68, %select_n3A_54 : vector<256x1xf32>
    %select_n3A_82 = arith.select %lt3A_81, %broadcast_in_dim3A_80, %select_n3A_53 : vector<256x1xi1>, vector<256x1xi32>
    %select_n3A_83 = arith.select %lt3A_81, %broadcast_in_dim3A_68, %select_n3A_54 : vector<256x1xi1>, vector<256x1xf32>
    %get3A_84 = arith.constant 0 : index
    %get3A_85 = arith.constant 3072 : index
    %get3A_86 = vector.load %arg2[%get3A_84, %get3A_85] : memref<64x8192xf32, #tpu.memory_space<vmem>>, vector<64x1024xf32>
    %mul3A_87 = arith.mulf %get3A_86, %get3A_86 : vector<64x1024xf32>
    %reduce_sum3A_88 = arith.constant dense<0.000000e+00> : vector<1024xf32>
    %reduce_sum3A_89 = vector.multi_reduction <add>, %mul3A_87, %reduce_sum3A_88 [0] : vector<64x1024xf32> to vector<1024xf32>
    %broadcast_in_dim3A_90 = vector.shape_cast %reduce_sum3A_89 : vector<1024xf32> to vector<1x1024xf32>
    %dot_general3A_91 = arith.constant dense<0.000000e+00> : vector<256x1024xf32>
    %dot_general3A_92 = tpu.matmul %mul3A_7, %get3A_86, %dot_general3A_91 {dimension_numbers = #tpu.dot_dimension_numbers<[1], [0], [0], [1], [0, 0, 1, 1], [], []>, transpose_lhs_hint = false} : vector<256x64xf32>, vector<64x1024xf32>, vector<256x1024xf32> -> vector<256x1024xf32>
    %add3A_93 = vector.broadcast %broadcast_in_dim3A_90 : vector<1x1024xf32> to vector<256x1024xf32>
    %add3A_94 = arith.addf %dot_general3A_92, %add3A_93 : vector<256x1024xf32>
    %reduce_min3A_95 = arith.constant dense<0x7F800000> : vector<256xf32>
    %reduce_min3A_96 = vector.multi_reduction <minimumf>, %add3A_94, %reduce_min3A_95 [1] : vector<256x1024xf32> to vector<256xf32>
    %broadcast_in_dim3A_97 = vector.shape_cast %reduce_min3A_96 : vector<256xf32> to vector<256x1xf32>
    %iota3A_98 = tpu.iota {dimensions = array<i32: 1>} : vector<256x1024xi32>
    %add3A_99 = arith.constant 3072 : i32
    %add3A_100 = vector.broadcast %add3A_99 : i32 to vector<256x1024xi32>
    %add3A_101 = arith.addi %iota3A_98, %add3A_100 : vector<256x1024xi32>
    %eq3A_102 = vector.broadcast %broadcast_in_dim3A_97 : vector<256x1xf32> to vector<256x1024xf32>
    %eq3A_103 = arith.cmpf oeq, %add3A_94, %eq3A_102 : vector<256x1024xf32>
    %jit3A_104 = arith.constant 2147483647 : i32
    %broadcast_in_dim3A_105 = vector.broadcast %jit3A_104 : i32 to vector<256x1024xi32>
    %select_n3A_106 = arith.select %eq3A_103, %add3A_101, %broadcast_in_dim3A_105 : vector<256x1024xi1>, vector<256x1024xi32>
    %reduce_min3A_107 = arith.constant dense<2147483647> : vector<256xi32>
    %reduce_min3A_108 = vector.multi_reduction <minsi>, %select_n3A_106, %reduce_min3A_107 [1] : vector<256x1024xi32> to vector<256xi32>
    %broadcast_in_dim3A_109 = vector.shape_cast %reduce_min3A_108 : vector<256xi32> to vector<256x1xi32>
    %lt3A_110 = arith.cmpf olt, %broadcast_in_dim3A_97, %select_n3A_83 : vector<256x1xf32>
    %select_n3A_111 = arith.select %lt3A_110, %broadcast_in_dim3A_109, %select_n3A_82 : vector<256x1xi1>, vector<256x1xi32>
    %select_n3A_112 = arith.select %lt3A_110, %broadcast_in_dim3A_97, %select_n3A_83 : vector<256x1xi1>, vector<256x1xf32>
    %get3A_113 = arith.constant 0 : index
    %get3A_114 = arith.constant 4096 : index
    %get3A_115 = vector.load %arg2[%get3A_113, %get3A_114] : memref<64x8192xf32, #tpu.memory_space<vmem>>, vector<64x1024xf32>
    %mul3A_116 = arith.mulf %get3A_115, %get3A_115 : vector<64x1024xf32>
    %reduce_sum3A_117 = arith.constant dense<0.000000e+00> : vector<1024xf32>
    %reduce_sum3A_118 = vector.multi_reduction <add>, %mul3A_116, %reduce_sum3A_117 [0] : vector<64x1024xf32> to vector<1024xf32>
    %broadcast_in_dim3A_119 = vector.shape_cast %reduce_sum3A_118 : vector<1024xf32> to vector<1x1024xf32>
    %dot_general3A_120 = arith.constant dense<0.000000e+00> : vector<256x1024xf32>
    %dot_general3A_121 = tpu.matmul %mul3A_7, %get3A_115, %dot_general3A_120 {dimension_numbers = #tpu.dot_dimension_numbers<[1], [0], [0], [1], [0, 0, 1, 1], [], []>, transpose_lhs_hint = false} : vector<256x64xf32>, vector<64x1024xf32>, vector<256x1024xf32> -> vector<256x1024xf32>
    %add3A_122 = vector.broadcast %broadcast_in_dim3A_119 : vector<1x1024xf32> to vector<256x1024xf32>
    %add3A_123 = arith.addf %dot_general3A_121, %add3A_122 : vector<256x1024xf32>
    %reduce_min3A_124 = arith.constant dense<0x7F800000> : vector<256xf32>
    %reduce_min3A_125 = vector.multi_reduction <minimumf>, %add3A_123, %reduce_min3A_124 [1] : vector<256x1024xf32> to vector<256xf32>
    %broadcast_in_dim3A_126 = vector.shape_cast %reduce_min3A_125 : vector<256xf32> to vector<256x1xf32>
    %iota3A_127 = tpu.iota {dimensions = array<i32: 1>} : vector<256x1024xi32>
    %add3A_128 = arith.constant 4096 : i32
    %add3A_129 = vector.broadcast %add3A_128 : i32 to vector<256x1024xi32>
    %add3A_130 = arith.addi %iota3A_127, %add3A_129 : vector<256x1024xi32>
    %eq3A_131 = vector.broadcast %broadcast_in_dim3A_126 : vector<256x1xf32> to vector<256x1024xf32>
    %eq3A_132 = arith.cmpf oeq, %add3A_123, %eq3A_131 : vector<256x1024xf32>
    %jit3A_133 = arith.constant 2147483647 : i32
    %broadcast_in_dim3A_134 = vector.broadcast %jit3A_133 : i32 to vector<256x1024xi32>
    %select_n3A_135 = arith.select %eq3A_132, %add3A_130, %broadcast_in_dim3A_134 : vector<256x1024xi1>, vector<256x1024xi32>
    %reduce_min3A_136 = arith.constant dense<2147483647> : vector<256xi32>
    %reduce_min3A_137 = vector.multi_reduction <minsi>, %select_n3A_135, %reduce_min3A_136 [1] : vector<256x1024xi32> to vector<256xi32>
    %broadcast_in_dim3A_138 = vector.shape_cast %reduce_min3A_137 : vector<256xi32> to vector<256x1xi32>
    %lt3A_139 = arith.cmpf olt, %broadcast_in_dim3A_126, %select_n3A_112 : vector<256x1xf32>
    %select_n3A_140 = arith.select %lt3A_139, %broadcast_in_dim3A_138, %select_n3A_111 : vector<256x1xi1>, vector<256x1xi32>
    %select_n3A_141 = arith.select %lt3A_139, %broadcast_in_dim3A_126, %select_n3A_112 : vector<256x1xi1>, vector<256x1xf32>
    %get3A_142 = arith.constant 0 : index
    %get3A_143 = arith.constant 5120 : index
    %get3A_144 = vector.load %arg2[%get3A_142, %get3A_143] : memref<64x8192xf32, #tpu.memory_space<vmem>>, vector<64x1024xf32>
    %mul3A_145 = arith.mulf %get3A_144, %get3A_144 : vector<64x1024xf32>
    %reduce_sum3A_146 = arith.constant dense<0.000000e+00> : vector<1024xf32>
    %reduce_sum3A_147 = vector.multi_reduction <add>, %mul3A_145, %reduce_sum3A_146 [0] : vector<64x1024xf32> to vector<1024xf32>
    %broadcast_in_dim3A_148 = vector.shape_cast %reduce_sum3A_147 : vector<1024xf32> to vector<1x1024xf32>
    %dot_general3A_149 = arith.constant dense<0.000000e+00> : vector<256x1024xf32>
    %dot_general3A_150 = tpu.matmul %mul3A_7, %get3A_144, %dot_general3A_149 {dimension_numbers = #tpu.dot_dimension_numbers<[1], [0], [0], [1], [0, 0, 1, 1], [], []>, transpose_lhs_hint = false} : vector<256x64xf32>, vector<64x1024xf32>, vector<256x1024xf32> -> vector<256x1024xf32>
    %add3A_151 = vector.broadcast %broadcast_in_dim3A_148 : vector<1x1024xf32> to vector<256x1024xf32>
    %add3A_152 = arith.addf %dot_general3A_150, %add3A_151 : vector<256x1024xf32>
    %reduce_min3A_153 = arith.constant dense<0x7F800000> : vector<256xf32>
    %reduce_min3A_154 = vector.multi_reduction <minimumf>, %add3A_152, %reduce_min3A_153 [1] : vector<256x1024xf32> to vector<256xf32>
    %broadcast_in_dim3A_155 = vector.shape_cast %reduce_min3A_154 : vector<256xf32> to vector<256x1xf32>
    %iota3A_156 = tpu.iota {dimensions = array<i32: 1>} : vector<256x1024xi32>
    %add3A_157 = arith.constant 5120 : i32
    %add3A_158 = vector.broadcast %add3A_157 : i32 to vector<256x1024xi32>
    %add3A_159 = arith.addi %iota3A_156, %add3A_158 : vector<256x1024xi32>
    %eq3A_160 = vector.broadcast %broadcast_in_dim3A_155 : vector<256x1xf32> to vector<256x1024xf32>
    %eq3A_161 = arith.cmpf oeq, %add3A_152, %eq3A_160 : vector<256x1024xf32>
    %jit3A_162 = arith.constant 2147483647 : i32
    %broadcast_in_dim3A_163 = vector.broadcast %jit3A_162 : i32 to vector<256x1024xi32>
    %select_n3A_164 = arith.select %eq3A_161, %add3A_159, %broadcast_in_dim3A_163 : vector<256x1024xi1>, vector<256x1024xi32>
    %reduce_min3A_165 = arith.constant dense<2147483647> : vector<256xi32>
    %reduce_min3A_166 = vector.multi_reduction <minsi>, %select_n3A_164, %reduce_min3A_165 [1] : vector<256x1024xi32> to vector<256xi32>
    %broadcast_in_dim3A_167 = vector.shape_cast %reduce_min3A_166 : vector<256xi32> to vector<256x1xi32>
    %lt3A_168 = arith.cmpf olt, %broadcast_in_dim3A_155, %select_n3A_141 : vector<256x1xf32>
    %select_n3A_169 = arith.select %lt3A_168, %broadcast_in_dim3A_167, %select_n3A_140 : vector<256x1xi1>, vector<256x1xi32>
    %select_n3A_170 = arith.select %lt3A_168, %broadcast_in_dim3A_155, %select_n3A_141 : vector<256x1xi1>, vector<256x1xf32>
    %get3A_171 = arith.constant 0 : index
    %get3A_172 = arith.constant 6144 : index
    %get3A_173 = vector.load %arg2[%get3A_171, %get3A_172] : memref<64x8192xf32, #tpu.memory_space<vmem>>, vector<64x1024xf32>
    %mul3A_174 = arith.mulf %get3A_173, %get3A_173 : vector<64x1024xf32>
    %reduce_sum3A_175 = arith.constant dense<0.000000e+00> : vector<1024xf32>
    %reduce_sum3A_176 = vector.multi_reduction <add>, %mul3A_174, %reduce_sum3A_175 [0] : vector<64x1024xf32> to vector<1024xf32>
    %broadcast_in_dim3A_177 = vector.shape_cast %reduce_sum3A_176 : vector<1024xf32> to vector<1x1024xf32>
    %dot_general3A_178 = arith.constant dense<0.000000e+00> : vector<256x1024xf32>
    %dot_general3A_179 = tpu.matmul %mul3A_7, %get3A_173, %dot_general3A_178 {dimension_numbers = #tpu.dot_dimension_numbers<[1], [0], [0], [1], [0, 0, 1, 1], [], []>, transpose_lhs_hint = false} : vector<256x64xf32>, vector<64x1024xf32>, vector<256x1024xf32> -> vector<256x1024xf32>
    %add3A_180 = vector.broadcast %broadcast_in_dim3A_177 : vector<1x1024xf32> to vector<256x1024xf32>
    %add3A_181 = arith.addf %dot_general3A_179, %add3A_180 : vector<256x1024xf32>
    %reduce_min3A_182 = arith.constant dense<0x7F800000> : vector<256xf32>
    %reduce_min3A_183 = vector.multi_reduction <minimumf>, %add3A_181, %reduce_min3A_182 [1] : vector<256x1024xf32> to vector<256xf32>
    %broadcast_in_dim3A_184 = vector.shape_cast %reduce_min3A_183 : vector<256xf32> to vector<256x1xf32>
    %iota3A_185 = tpu.iota {dimensions = array<i32: 1>} : vector<256x1024xi32>
    %add3A_186 = arith.constant 6144 : i32
    %add3A_187 = vector.broadcast %add3A_186 : i32 to vector<256x1024xi32>
    %add3A_188 = arith.addi %iota3A_185, %add3A_187 : vector<256x1024xi32>
    %eq3A_189 = vector.broadcast %broadcast_in_dim3A_184 : vector<256x1xf32> to vector<256x1024xf32>
    %eq3A_190 = arith.cmpf oeq, %add3A_181, %eq3A_189 : vector<256x1024xf32>
    %jit3A_191 = arith.constant 2147483647 : i32
    %broadcast_in_dim3A_192 = vector.broadcast %jit3A_191 : i32 to vector<256x1024xi32>
    %select_n3A_193 = arith.select %eq3A_190, %add3A_188, %broadcast_in_dim3A_192 : vector<256x1024xi1>, vector<256x1024xi32>
    %reduce_min3A_194 = arith.constant dense<2147483647> : vector<256xi32>
    %reduce_min3A_195 = vector.multi_reduction <minsi>, %select_n3A_193, %reduce_min3A_194 [1] : vector<256x1024xi32> to vector<256xi32>
    %broadcast_in_dim3A_196 = vector.shape_cast %reduce_min3A_195 : vector<256xi32> to vector<256x1xi32>
    %lt3A_197 = arith.cmpf olt, %broadcast_in_dim3A_184, %select_n3A_170 : vector<256x1xf32>
    %select_n3A_198 = arith.select %lt3A_197, %broadcast_in_dim3A_196, %select_n3A_169 : vector<256x1xi1>, vector<256x1xi32>
    %select_n3A_199 = arith.select %lt3A_197, %broadcast_in_dim3A_184, %select_n3A_170 : vector<256x1xi1>, vector<256x1xf32>
    %get3A_200 = arith.constant 0 : index
    %get3A_201 = arith.constant 7168 : index
    %get3A_202 = vector.load %arg2[%get3A_200, %get3A_201] : memref<64x8192xf32, #tpu.memory_space<vmem>>, vector<64x1024xf32>
    %mul3A_203 = arith.mulf %get3A_202, %get3A_202 : vector<64x1024xf32>
    %reduce_sum3A_204 = arith.constant dense<0.000000e+00> : vector<1024xf32>
    %reduce_sum3A_205 = vector.multi_reduction <add>, %mul3A_203, %reduce_sum3A_204 [0] : vector<64x1024xf32> to vector<1024xf32>
    %broadcast_in_dim3A_206 = vector.shape_cast %reduce_sum3A_205 : vector<1024xf32> to vector<1x1024xf32>
    %dot_general3A_207 = arith.constant dense<0.000000e+00> : vector<256x1024xf32>
    %dot_general3A_208 = tpu.matmul %mul3A_7, %get3A_202, %dot_general3A_207 {dimension_numbers = #tpu.dot_dimension_numbers<[1], [0], [0], [1], [0, 0, 1, 1], [], []>, transpose_lhs_hint = false} : vector<256x64xf32>, vector<64x1024xf32>, vector<256x1024xf32> -> vector<256x1024xf32>
    %add3A_209 = vector.broadcast %broadcast_in_dim3A_206 : vector<1x1024xf32> to vector<256x1024xf32>
    %add3A_210 = arith.addf %dot_general3A_208, %add3A_209 : vector<256x1024xf32>
    %reduce_min3A_211 = arith.constant dense<0x7F800000> : vector<256xf32>
    %reduce_min3A_212 = vector.multi_reduction <minimumf>, %add3A_210, %reduce_min3A_211 [1] : vector<256x1024xf32> to vector<256xf32>
    %broadcast_in_dim3A_213 = vector.shape_cast %reduce_min3A_212 : vector<256xf32> to vector<256x1xf32>
    %iota3A_214 = tpu.iota {dimensions = array<i32: 1>} : vector<256x1024xi32>
    %add3A_215 = arith.constant 7168 : i32
    %add3A_216 = vector.broadcast %add3A_215 : i32 to vector<256x1024xi32>
    %add3A_217 = arith.addi %iota3A_214, %add3A_216 : vector<256x1024xi32>
    %eq3A_218 = vector.broadcast %broadcast_in_dim3A_213 : vector<256x1xf32> to vector<256x1024xf32>
    %eq3A_219 = arith.cmpf oeq, %add3A_210, %eq3A_218 : vector<256x1024xf32>
    %jit3A_220 = arith.constant 2147483647 : i32
    %broadcast_in_dim3A_221 = vector.broadcast %jit3A_220 : i32 to vector<256x1024xi32>
    %select_n3A_222 = arith.select %eq3A_219, %add3A_217, %broadcast_in_dim3A_221 : vector<256x1024xi1>, vector<256x1024xi32>
    %reduce_min3A_223 = arith.constant dense<2147483647> : vector<256xi32>
    %reduce_min3A_224 = vector.multi_reduction <minsi>, %select_n3A_222, %reduce_min3A_223 [1] : vector<256x1024xi32> to vector<256xi32>
    %broadcast_in_dim3A_225 = vector.shape_cast %reduce_min3A_224 : vector<256xi32> to vector<256x1xi32>
    %lt3A_226 = arith.cmpf olt, %broadcast_in_dim3A_213, %select_n3A_199 : vector<256x1xf32>
    %select_n3A_227 = arith.select %lt3A_226, %broadcast_in_dim3A_225, %select_n3A_198 : vector<256x1xi1>, vector<256x1xi32>
    %select_n3A_228 = arith.select %lt3A_226, %broadcast_in_dim3A_213, %select_n3A_199 : vector<256x1xi1>, vector<256x1xf32>
    %swap3A = arith.constant 0 : index
    %swap3A_229 = arith.constant 0 : index
    %swap3A_230 = arith.constant 0 : index
    %swap3A_231 = vector.load %arg3[%swap3A, %swap3A_229, %swap3A_230] : memref<1x256x1xi32, #tpu.memory_space<vmem>>, vector<1x256x1xi32>
    %swap3A_232 = vector.shape_cast %swap3A_231 : vector<1x256x1xi32> to vector<256x1xi32>
    %swap3A_233 = vector.shape_cast %select_n3A_227 : vector<256x1xi32> to vector<1x256x1xi32>
    tpu.vector_store %arg3[%swap3A, %swap3A_229, %swap3A_230], %swap3A_233 {strides = array<i32>} : memref<1x256x1xi32, #tpu.memory_space<vmem>>, vector<1x256x1xi32>,
    %eq3A_234 = arith.constant 0 : i32
    %eq3A_235 = arith.cmpi eq, %arg0, %eq3A_234 : i32
    %convert_element_type3A = arith.extui %eq3A_235 : i1 to i32
    %cond3A = arith.constant 0 : i32
    %cond3A_236 = arith.cmpi ne, %convert_element_type3A, %cond3A : i32
    scf.if %cond3A_236 {
      %broadcast_in_dim3A_251 = arith.constant 0.000000e+00 : f32
      %broadcast_in_dim3A_252 = vector.broadcast %broadcast_in_dim3A_251 : f32 to vector<1x1xf32>
      %swap3A_253 = arith.constant 0 : index
      %swap3A_254 = arith.constant 0 : index
      %swap3A_255 = vector.load %arg4[%swap3A_253, %swap3A_254] : memref<1x1xf32, #tpu.memory_space<vmem>>, vector<1x1xf32>
      tpu.vector_store %arg4[%swap3A_253, %swap3A_254], %broadcast_in_dim3A_252 {strides = array<i32>} : memref<1x1xf32, #tpu.memory_space<vmem>>, vector<1x1xf32>,
    } else {
    }
    %get3A_237 = arith.constant 0 : index
    %get3A_238 = arith.constant 0 : index
    %get3A_239 = vector.load %arg4[%get3A_237, %get3A_238] : memref<1x1xf32, #tpu.memory_space<vmem>>, vector<1x1xf32>
    %add3A_240 = arith.addf %select_n3A_228, %broadcast_in_dim3A : vector<256x1xf32>
    %reduce_sum3A_241 = vector.shape_cast %add3A_240 : vector<256x1xf32> to vector<1x256x1xf32>
    %reduce_sum3A_242 = arith.constant dense<0.000000e+00> : vector<1xf32>
    %reduce_sum3A_243 = vector.multi_reduction <add>, %reduce_sum3A_241, %reduce_sum3A_242 [1, 2] : vector<1x256x1xf32> to vector<1xf32>
    %reduce_sum3A_244 = vector.shape_cast %reduce_sum3A_243 : vector<1xf32> to vector<1x1x1xf32>
    %reduce_sum3A_245 = vector.extract %reduce_sum3A_244[0, 0, 0] : f32 from vector<1x1x1xf32>
    %broadcast_in_dim3A_246 = vector.broadcast %reduce_sum3A_245 : f32 to vector<1x1xf32>
    %add3A_247 = arith.addf %get3A_239, %broadcast_in_dim3A_246 : vector<1x1xf32>
    %swap3A_248 = arith.constant 0 : index
    %swap3A_249 = arith.constant 0 : index
    %swap3A_250 = vector.load %arg4[%swap3A_248, %swap3A_249] : memref<1x1xf32, #tpu.memory_space<vmem>>, vector<1x1xf32>
    tpu.vector_store %arg4[%swap3A_248, %swap3A_249], %add3A_247 {strides = array<i32>} : memref<1x1xf32, #tpu.memory_space<vmem>>, vector<1x1xf32>,
    return
  }
  func.func @transform_0(%arg0: i32) -> (i32, i32, i32) {
    %c0_i32 = arith.constant 0 : i32
    %c0_i32_0 = arith.constant 0 : i32
    %c0_i32_1 = arith.constant 0 : i32
    return %arg0, %c0_i32, %c0_i32_0 : i32, i32, i32
  }
  func.func @transform_1(%arg0: i32) -> (i32, i32) {
    %c0_i32 = arith.constant 0 : i32
    %c0_i32_0 = arith.constant 0 : i32
    %c0_i32_1 = arith.constant 0 : i32
    return %c0_i32, %c0_i32_0 : i32, i32
  }
  func.func @transform_2(%arg0: i32) -> (i32, i32, i32) {
    %c0_i32 = arith.constant 0 : i32
    %c0_i32_0 = arith.constant 0 : i32
    %c0_i32_1 = arith.constant 0 : i32
    return %arg0, %c0_i32, %c0_i32_0 : i32, i32, i32
  }
  func.func @transform_3(%arg0: i32) -> (i32, i32) {
    %c0_i32 = arith.constant 0 : i32
    %c0_i32_0 = arith.constant 0 : i32
    %c0_i32_1 = arith.constant 0 : i32
    return %c0_i32, %c0_i32_0 : i32, i32
  }
}

</mosaic_0001>

<sc_bundles>
// kernel: kernel.6.cloned.1.call-start
scs
__scs_entry_jumppad:
0x0: {  	(pc) =	sbr.rel $0x88, $3  }
0x1: {  	(tag) =	ssettag $0x0;
	lr =	simm.s32 $0x1  }
0x2: {  	[smem:$0x3F9F] =	sst lr;
	_ =	strace $0xD0000000  }
0x3: {  	_ = 	snop  }
0x4: {  	_ = 	snop  }
0x5: {  	_ = 	snop  }
0x6: {  	_ = 	snop  }
0x7: {  	_ = 	snop  }
__scs_overlays_trampoline_lowered:
0x8: {  	[smem:$0x3FAE] =	sst s0  }
0x9: {  	[smem:$0x3FAF] =	sst s1  }
0xa: {  	[smem:$0x3FB0] =	sst s2  }
0xb: {  	[smem:$0x3FB1] =	sst s3  }
0xc: {  	[smem:$0x3FB2] =	sst s4  }
0xd: {  	[smem:$0x3FB3] =	sst s5  }
0xe: {  	[smem:$0x3FB4] =	sst s6  }
0xf: {  	[smem:$0x3FB5] =	sst s7  }
0x10: {  	[smem:$0x3FB6] =	sst s8  }
0x11: {  	[smem:$0x3FB7] =	sst s9;
	s0 =	simm.s32 @!p0 $0x0  }
0x12: {  	s1 =	sld [smem:$0x3F9D];
	s0 =	simm.s32 @p0 $0x1  }
0x13: {  	[smem:$0x3FB8] =	sst s0;
	s0 =	simm.s32 @!p1 $0x0  }
0x14: {  	s2 =	sld [smem:$0x3F9C];
	s0 =	simm.s32 @p1 $0x1  }
0x15: {  	[smem:$0x3FB9] =	sst s0;
	s0 =	simm.s32 @!p2 $0x0  }
0x16: {  	s3 =	sld [smem:$0x3FDB];
	s0 =	simm.s32 @p2 $0x1  }
0x17: {  	s4 =	simm.s32 $0x1BF5;
	[smem:$0x3FBB] =	sst s0  }
0x18: {  	s0 =	sld [smem:$0x3F9E];
	_ =	swait.ge [sflag:s4], $0x0  }
0x19: {  	s7 =	sld [smem:$0x3F9F]  }
0x1a: {  	s8 =	sadd.s32 $0xFFFFE003, lr  }
0x1b: {  	s9 =	sadd.s32 $0xFFFFFEF7, lr;
	s5 =	simm.s32 $0xFFFFFFFF;
	p2 =	slt.u32 s8, $0xFFFFF086  }
0x1c: {  	p1 =	slt.u32 s9, $0xF7A;
	s5 =	simm.s32 @!p2 $0x0  }
0x1d: {  	s5 =	simm.s32 @p1 $0x1;
	p0 =	seq.s32 s7, s2  }
0x1e: {  	s7 =	smul.u32 @!p0 $0xF7A, s2;
	p2 =	seq.s32 @!p0 s5, $0x0  }
0x1f: {  	s9 =	smul.u32 $0xF7A, s1;
	s8 =	simm.s32 @!p0 $0x1BF5;
	p2 =	por !p2, p0  }
0x20: {  	[sflag:s8] =	ssyncset.s32 @!p0 $0xFFFFF086;
	s6 =	sadd.s32 @!p0 s3, s7;
	s7 =	simm.s32 @!p0 $0x108  }
0x21: {  	s3 =	sadd.s32 s3, s9;
	s6 =	sadd.s32 @!p0 $0x88, s6;
	s7 =	simm.s32 @p2 $0x1082  }
0x22: {  	[simem:s7], [sflag:s8] =	dma.local @!p0 [hbm:s6], $0xF7A  }
0x23: {  	s9 =	sor.u32 $0xD0000000, s2;
	s6 =	simm.s32 $0x108;
	_ =	swait.ge @!p0 [sflag:s8], $0x0  }
0x24: {  	s3 =	sadd.s32 $0x88, s3;
	s6 =	simm.s32 @!p1 $0x1082;
	[sflag:s4] =	ssyncset.s32 $0xFFFFF086  }
0x25: {  	[simem:s6], [sflag:s4] =	dma.local [hbm:s3], $0xF7A  }
0x26: {  	[smem:$0x3F9F] =	sst s1;
	(tag) =	ssettag s2;
	_ =	strace s9  }
0x27: {  	s1 =	sld [smem:$0x3FAF]  }
0x28: {  	s2 =	sld [smem:$0x3FB0]  }
0x29: {  	s4 =	sld [smem:$0x3FB2]  }
0x2a: {  	p0 =	seq.s32 s5, $0x0;
	s5 =	sld [smem:$0x3FB3]  }
0x2b: {  	s6 =	sld [smem:$0x3FB4]  }
0x2c: {  	s7 =	sld [smem:$0x3FB5]  }
0x2d: {  	s3 =	simm.s32 $0x108;
	s8 =	sld [smem:$0x3FB6]  }
0x2e: {  	s3 =	simm.s32 @!p0 $0x1082;
	s9 =	sld [smem:$0x3FB7]  }
0x2f: {  	lr =	sadd.s32 s0, s3;
	s0 =	sld [smem:$0x3FAE]  }
0x30: {  	s3 =	sld [smem:$0x3FB1]  }
0x31: {  	[smem:$0x3FBA] =	sst s10  }
0x32: {  	s10 =	sld [smem:$0x3FB8];
	_ =	sdelay $0x3  }
0x33: {  	p0 =	seq.s32 s10, $0x1;
	s10 =	sld [smem:$0x3FBA];
	_ =	sdelay $0x3  }
0x34: {  	[smem:$0x3FBA] =	sst s10  }
0x35: {  	s10 =	sld [smem:$0x3FB9];
	_ =	sdelay $0x3  }
0x36: {  	p1 =	seq.s32 s10, $0x1;
	s10 =	sld [smem:$0x3FBA];
	_ =	sdelay $0x3  }
0x37: {  	[smem:$0x3FBA] =	sst s10  }
0x38: {  	s10 =	sld [smem:$0x3FBB]  }
0x39: {  	_ = 	snop;
	(pc) =	sbr.ind lr, $3  }
0x3a: {  	_ = 	snop  }
0x3b: {  	_ = 	snop  }
0x3c: {  	p2 =	seq.s32 s10, $0x1;
	s10 =	sld [smem:$0x3FBA]  }
0x3d: {  	_ =	shalt  }
0x3e: {  	_ =	shalt  }
0x3f: {  	_ =	shalt  }
0x40: {  	_ =	shalt  }
0x41: {  	_ =	shalt  }
0x42: {  	_ =	shalt  }
0x43: {  	_ =	shalt  }
0x44: {  	_ =	shalt  }
0x45: {  	_ =	shalt  }
0x46: {  	_ =	shalt  }
0x47: {  	_ =	shalt  }
0x48: {  	_ =	shalt  }
0x49: {  	_ =	shalt  }
0x4a: {  	_ =	shalt  }
0x4b: {  	_ =	shalt  }
0x4c: {  	_ =	shalt  }
0x4d: {  	_ =	shalt  }
0x4e: {  	_ =	shalt  }
0x4f: {  	_ =	shalt  }
0x50: {  	_ =	shalt  }
0x51: {  	_ =	shalt  }
0x52: {  	_ =	shalt  }
0x53: {  	_ =	shalt  }
0x54: {  	_ =	shalt  }
0x55: {  	_ =	shalt  }
0x56: {  	_ =	shalt  }
0x57: {  	_ =	shalt  }
0x58: {  	_ =	shalt  }
0x59: {  	_ =	shalt  }
0x5a: {  	_ =	shalt  }
0x5b: {  	_ =	shalt  }
0x5c: {  	_ =	shalt  }
0x5d: {  	_ =	shalt  }
0x5e: {  	_ =	shalt  }
0x5f: {  	_ =	shalt  }
0x60: {  	_ =	shalt  }
0x61: {  	_ =	shalt  }
0x62: {  	_ =	shalt  }
0x63: {  	_ =	shalt  }
0x64: {  	_ =	shalt  }
0x65: {  	_ =	shalt  }
0x66: {  	_ =	shalt  }
0x67: {  	_ =	shalt  }
0x68: {  	_ =	shalt  }
0x69: {  	_ =	shalt  }
0x6a: {  	_ =	shalt  }
0x6b: {  	_ =	shalt  }
0x6c: {  	_ =	shalt  }
0x6d: {  	_ =	shalt  }
0x6e: {  	_ =	shalt  }
0x6f: {  	_ =	shalt  }
0x70: {  	_ =	shalt  }
0x71: {  	_ =	shalt  }
0x72: {  	_ =	shalt  }
0x73: {  	_ =	shalt  }
0x74: {  	_ =	shalt  }
0x75: {  	_ =	shalt  }
0x76: {  	_ =	shalt  }
0x77: {  	_ =	shalt  }
0x78: {  	_ =	shalt  }
0x79: {  	_ =	shalt  }
0x7a: {  	_ =	shalt  }
0x7b: {  	_ =	shalt  }
0x7c: {  	_ =	shalt  }
0x7d: {  	_ =	shalt  }
0x7e: {  	_ =	shalt  }
0x7f: {  	_ =	shalt  }
0x80: {  	_ =	shalt  }
0x81: {  	_ =	shalt  }
0x82: {  	_ =	shalt  }
0x83: {  	_ =	shalt  }
0x84: {  	_ =	shalt  }
0x85: {  	_ =	shalt  }
0x86: {  	_ =	shalt  }
0x87: {  	_ =	shalt  }
.Lfunc_end0:
.L_simem_size_0:
called_computation_lowered:
.L_overlay_start_0:
0x88: {  	s2 =	sld [smem:$0x3FD9]  }
0x89: {  	s3 =	sld [smem:$0x3FFE];
	_ =	sdelay $0x1  }
0x8a: {  	s1 =	srdreg.scid  }
0x8b: {  	s0 =	sand.u32 $0x1, s1  }
0x8c: {  	s14 =	sshll.u32 s0, $0xA;
	s2 =	sadd.s32 s3, s2  }
0x8d: {  	s2 =	sadd.s32 s2, s14  }
0x8e: {  	[smem:$0x3FC6] =	sst s2  }
0x8f: {  	_ = 	snop  }
0x90: {  	s2 =	sld [smem:$0x3FD0];
	_ =	sdelay $0x2  }
0x91: {  	s15 =	simm.s32 $0xB;
	s4 =	simm.s32 $0x10  }
0x92: {  	[smem:s4], [sflag:s15] =	dma.local [hbm:s2], $0x1  }
0x93: {  	_ =	swait.eq [sflag:s15], $0x1  }
0x94: {  	[sflag:s15] =	ssyncset.done $0x0  }
0x95: {  	[sflag:s15] =	ssyncadd.s32 $0xFFFFFFFF  }
0x96: {  	s16 =	sld [smem:$0x10];
	(tm) =	ssettm $0x1  }
0x97: {  	s17 =	sld [smem:$0x3FFB];
	_ =	sdelay $0x3  }
0x98: {  	_ =	strace s17  }
0x99: {  	s3 =	sld [smem:$0x3FFC];
	_ =	sdelay $0x3  }
0x9a: {  	_ =	strace s3  }
0x9b: {  	s3 =	sld [smem:$0x3FFD];
	_ =	sdelay $0x3  }
0x9c: {  	_ =	strace s3  }
0x9d: {  	_ =	strace $0x8FFFFFFF  }
0x9e: {  	s18 =	sld [smem:$0x3FDB];
	_ =	sdelay $0x1  }
0x9f: {  	s19 =	simm.s32 $_scs_section_size  }
0xa0: {  	s5 =	simm.s32 $_size__tile_overlayer_lowered;
	s6 =	simm.s32 $_tile_overlayer_lowered  }
0xa1: {  	s22 =	simm.s32 $0x1BFF;
	s21 =	sshll.u32 s6, $0x1;
	s3 =	sadd.s32 s19, s18  }
0xa2: {  	s7 =	simm.s32 $0x0;
	s20 =	sshll.u32 s5, $0x1;
	s5 =	sadd.s32 s21, s3  }
0xa3: {  	[timem:s7], [sflag:s22] =	dma.local [hbm:s5], s20  }
0xa4: {  	_ =	swait.ge [sflag:s22], s20  }
0xa5: {  	s4 =	ssub.s32 $0x0, s20;
	[sflag:s22] =	ssyncset.done $0x0  }
0xa6: {  	[sflag:s22] =	ssyncadd.s32 s4;
	_ =	sdelay $0x1  }
0xa7: {  	s23 =	simm.s32 $0x1B8B  }
0xa8: {  	_ =	swait.ge [sflag:s23], $0x1  }
0xa9: {  	[sflag:s23] =	ssyncset.done $0x0  }
0xaa: {  	s25 =	simm.s32 $0x1B8E;
	s24 =	sld [smem:$0x3FFE];
	[sflag:s23] =	ssyncadd.s32 $0xFFFFFFFF  }
0xab: {  	s26 =	simm.s32 $execute0_lowered;
	[smem:$0x3FD2] =	sst s25  }
0xac: {  	s5 =	sshll.u32 s26, $0x1;
	_ =	strace $0x80000046;
	[dreg:$0x1] =	wrdreg $0xFFFFFFFF  }
0xad: {  	s28 =	simm.s32 $_size_execute0_lowered;
	s3 =	sadd.s32 s3, s5;
	[dreg:$0x0] =	wrdreg $0x0  }
0xae: {  	s5 =	sshll.u32 s28, $0x1;
	[dreg:$0x2] =	wrdreg s3  }
0xaf: {  	[dreg:$0x3] =	wrdreg s5  }
0xb0: {  	[dreg:$0x4] =	wrdreg $0xC0  }
0xb1: {  	_ =	task [dreg:s7], $0x5FFFF  }
0xb2: {  	[dreg:$0x1] =	wrdreg $0xFFFFFFFF  }
0xb3: {  	[dreg:$0x0] =	wrdreg $0x60  }
0xb4: {  	[dreg:$0x2] =	wrdreg s24  }
0xb5: {  	[dreg:$0x3] =	wrdreg s16  }
0xb6: {  	[dreg:$0x4] =	wrdreg $0x9  }
0xb7: {  	_ =	task.clear_ibuf [dreg:s7], $0x5FFFF;
	_ =	strace $0x90000046  }
0xb8: {  	s29 =	simm.s32 $0x9;
	_ =	strace $0x80000048  }
0xb9: {  	_ =	swait.ge [sflag:s29], $0x1  }
0xba: {  	[sflag:s29] =	ssyncadd.s32 $0xFFFFFFFF  }
0xbb: {  	_ =	strace $0x90000048  }
0xbc: {  	_ =	sfence  }
0xbd: {  	s30 =	sld [smem:$0x0];
	_ =	sdelay $0x2  }
0xbe: {  	s31 =	sshll.u32 s1, $0xD;
	s1 =	sshrl.u32 s1, $0x2  }
0xbf: {  	s3 =	sand.u32 $0x4000, s31;
	s1 =	sadd.s32 s1, s30  }
0xc0: {  	s0 =	sor.u32 s3, s0;
	s1 =	sshll.u32 s1, $0x11  }
0xc1: {  	s0 =	sor.u32 s1, s0  }
0xc2: {  	s0 =	sadd.s32 $0x8F2B, s0  }
0xc3: {  	[sflag:s0] =	ssyncadd.remote.s32 $0x1  }
0xc4: {  	_ =	sfence.sel $0xFFFF  }
0xc5: {  	[dreg:$0x0] =	wrdreg $0xFFFFFFFF;
	(pc) =	sbr.abs _section_cstart, $3  }
0xc6: {  	[dreg:$0x1] =	wrdreg $0xFFFFFFFF  }
0xc7: {  	_ =	task.clear_ibuf [dreg:s7], $0x2FFFF;
	_ =	strace $0x9FFFFFFF  }
0xc8: {  	(tm) =	ssettm $0x7FFFFFFF  }
0xc9: {  	_ =	shalt  }
tec
execute0_lowered:
.L_overlay_start_1:
0x0: {  	(tag) =	ssettag $0x1  }
0x1: {  	s1 =	srdreg.scid  }
0x2: {  	s0 =	stileid.u32;
	s14 =	sand.u32 $0x1, s1  }
0x3: {  	s5 =	rddreg [dreg:$0x0];
	s29 =	sshll.u32 s0, $0xA;
	s2 =	sshll.u32 s14, $0x9  }
0x4: {  	s15 =	rddreg [dreg:$0x1];
	s16 =	sor.u32 s2, s29  }
0x5: {  	s1 =	rddreg [dreg:$0x2];
	s2 =	simm.s32 $0x0;
	s3 =	sshrl.u32 s16, $0x3  }
0x6: {  	[smem:$0x7FF] =	sst s2;
	s3 =	sadd.s32 s3, s5  }
0x7: {  	_ =	strace $0x80000047;
	s4 =	sadd.s32 $0x1400, s3;
	s3 =	simm.s32 $0x2  }
0x8: {  	[tilespmem:s2], [sflag:$0x2] =	stream.linear.gather [hbm4b:s4+s2], $0x200, $0x38;
	[tilespmem:$0x8200] =	vst v63  }
0x9: {  	_ =	swait.ge [sflag:s3], $0x200  }
0xa: {  	s6 =	simm.s32 $0x80;
	[sflag:s3] =	ssyncset.done $0x0  }
0xb: {  	s7 =	simm.s32 $0x200;
	s5 =	sadd.s32 $0x1C00, s5;
	[sflag:s3] =	ssyncadd.s32 $0xFFFFFE00  }
0xc: {  	[tilespmem:s7], [sflag:$0x1] =	stream.indirect.gather [hbm4b:s5+s6], $0x40, s2, s6, $0xb8;
	[tilespmem:$0x8200] =	vst v63  }
0xd: {  	s8 =	simm.s32 $0x2200  }
0xe: {  	[tilespmem:s8], [sflag:$0x1] =	stream.indirect.gather [hbm4b:s5+s6], $0x40, s6, s6, $0xb8;
	[tilespmem:$0x8200] =	vst v63  }
0xf: {  	s9 =	simm.s32 $0x100;
	s10 =	simm.s32 $0x4200  }
0x10: {  	[tilespmem:s10], [sflag:$0x1] =	stream.indirect.gather [hbm4b:s5+s6], $0x40, s9, s6, $0xb8;
	[tilespmem:$0x8200] =	vst v63  }
0x11: {  	s11 =	simm.s32 $0x180;
	s12 =	simm.s32 $0x6200;
	s13 =	simm.s32 $0x1  }
0x12: {  	[tilespmem:s12], [sflag:$0x1] =	stream.indirect.gather [hbm4b:s5+s6], $0x40, s11, s6, $0xb8;
	[tilespmem:$0x8200] =	vst v63  }
0x13: {  	_ =	swait.ge [sflag:s13], $0x2000  }
0x14: {  	[sflag:s13] =	ssyncset.done $0x0  }
0x15: {  	[sflag:s13] =	ssyncadd.s32 $0xFFFFE000  }
0x16: {  	_ =	swait.ge [sflag:s13], $0x2000  }
0x17: {  	[sflag:s13] =	ssyncset.done $0x0  }
0x18: {  	s14 =	ssub.s32 $0x2, s14;
	[sflag:s13] =	ssyncadd.s32 $0xFFFFE000  }
0x19: {  	s17 =	sshrl.u32 s14, $0x1;
	_ =	swait.ge [sflag:s13], $0x2000  }
0x1a: {  	s17 =	ssub.s32 s14, s17;
	[sflag:s13] =	ssyncset.done $0x0  }
0x1b: {  	s31 =	smax.u32 s17, $0x1;
	[sflag:s13] =	ssyncadd.s32 $0xFFFFE000  }
0x1c: {  	p0 =	sne.s32 s31, $0x1;
	_ =	swait.ge [sflag:s13], $0x2000  }
.Ltmp0:
0x1d: {  	s30 =	sshll.u32 s16, $0x3;
	[sflag:s13] =	ssyncset.done $0x0;
	(pc) =	sbr.rel @!p0 .LBB2_2-.Ltmp0, $4  }
0x1e: {  	s14 =	sadd.s32 s15, s30;
	[sflag:s13] =	ssyncadd.s32 $0xFFFFE000  }
0x1f: {  	[hbm4b:s14+s2] =	stream.linear.scatter [tilespmem:s7], [sflag:$0x2], $0x8000, $0x38;
	[tilespmem:$0x8200] =	vst v63  }
0x20: {  	_ =	swait.ge [sflag:s3], $0x8000  }
0x21: {  	s15 =	sadd.s32 $0xFFFFFFFF, s31;
	[sflag:s3] =	ssyncset.done $0x0  }
.LBB2_1:
0x22: {  	p0 =	sne.s32 s15, $0x1;
	s15 =	sadd.s32 $0xFFFFFFFF, s15;
	[sflag:s3] =	ssyncadd.s32 $0xFFFF8000  }
0x23: {  	[tilespmem:s2], [sflag:$0x2] =	stream.linear.gather [hbm4b:s4+s2], $0x200, $0x38;
	[tilespmem:$0x8200] =	vst v63  }
0x24: {  	_ =	swait.ge [sflag:s3], $0x200  }
0x25: {  	[sflag:s3] =	ssyncset.done $0x0  }
0x26: {  	[sflag:s3] =	ssyncadd.s32 $0xFFFFFE00  }
0x27: {  	[tilespmem:s7], [sflag:$0x1] =	stream.indirect.gather [hbm4b:s5+s6], $0x40, s2, s6, $0xb8;
	[tilespmem:$0x8200] =	vst v63  }
0x28: {  	_ = 	snop  }
0x29: {  	[tilespmem:s8], [sflag:$0x1] =	stream.indirect.gather [hbm4b:s5+s6], $0x40, s6, s6, $0xb8;
	[tilespmem:$0x8200] =	vst v63  }
0x2a: {  	_ = 	snop  }
0x2b: {  	[tilespmem:s10], [sflag:$0x1] =	stream.indirect.gather [hbm4b:s5+s6], $0x40, s9, s6, $0xb8;
	[tilespmem:$0x8200] =	vst v63  }
0x2c: {  	_ = 	snop  }
0x2d: {  	[tilespmem:s12], [sflag:$0x1] =	stream.indirect.gather [hbm4b:s5+s6], $0x40, s11, s6, $0xb8;
	[tilespmem:$0x8200] =	vst v63  }
0x2e: {  	_ =	swait.ge [sflag:s13], $0x2000  }
0x2f: {  	[sflag:s13] =	ssyncset.done $0x0  }
0x30: {  	[sflag:s13] =	ssyncadd.s32 $0xFFFFE000  }
0x31: {  	_ =	swait.ge [sflag:s13], $0x2000  }
0x32: {  	[sflag:s13] =	ssyncset.done $0x0  }
0x33: {  	[sflag:s13] =	ssyncadd.s32 $0xFFFFE000  }
0x34: {  	_ =	swait.ge [sflag:s13], $0x2000  }
0x35: {  	[sflag:s13] =	ssyncset.done $0x0  }
0x36: {  	[sflag:s13] =	ssyncadd.s32 $0xFFFFE000  }
0x37: {  	_ =	swait.ge [sflag:s13], $0x2000  }
.Ltmp1:
0x38: {  	[sflag:s13] =	ssyncset.done $0x0;
	(pc) =	sbr.rel @p0 .LBB2_1-.Ltmp1, $4  }
0x39: {  	[sflag:s13] =	ssyncadd.s32 $0xFFFFE000  }
0x3a: {  	[hbm4b:s14+s2] =	stream.linear.scatter [tilespmem:s7], [sflag:$0x2], $0x8000, $0x38;
	[tilespmem:$0x8200] =	vst v63  }
0x3b: {  	_ =	swait.ge [sflag:s3], $0x8000  }
0x3c: {  	[sflag:s3] =	ssyncset.done $0x0  }
.LBB2_2:
0x3d: {  	[sflag:s3] =	ssyncadd.s32 $0xFFFF8000  }
0x3e: {  	_ =	sfence.sel $0x180000  }
0x3f: {  	[bflag:$0x0] =	sbarrier.arrive $0xFFFF  }
0x40: {  	p0 =	sne.s32 s0, $0x0;
	_ =	strace $0x90000047  }
0x41: {  	s0 =	sadd.s32 @!p0 $0x100000, s1;
	[bflag:$0x2] =	sbarrier.arrive $0xFFFF  }
0x42: {  	[sflag:s0] =	ssyncadd.tile.s32 @!p0 $0x1;
	_ =	shalt  }
.Lfunc_end2:
_tile_overlayer_lowered:
.L_overlay_start_2:
0x43: {  	(tag) =	ssettag $0x2  }
0x44: {  	s0 =	rddreg [dreg:$0x0];
	s2 =	stileid.u32  }
0x45: {  	s1 =	rddreg [dreg:$0x1];
	p0 =	sne.s32 s2, $0x0  }
0x46: {  	s3 =	rddreg [dreg:$0x2];
	[bflag:$0x3] =	sbarrier.arrive $0xFFFF;
	s2 =	simm.s32 @!p0 $0x1C02  }
0x47: {  	[timem:s3], [sflag:s2] =	dma.local @!p0 [hbm:s0], s1  }
0x48: {  	s0 =	simm.s32 @!p0 $0x2  }
0x49: {  	_ =	swait.ge @!p0 [sflag:s0], s1  }
0x4a: {  	s1 =	ssub.s32 @!p0 $0x0, s1;
	[sflag:s0] =	ssyncset.done @!p0 $0x0  }
0x4b: {  	[sflag:s0] =	ssyncadd.s32 @!p0 s1  }
0x4c: {  	[bflag:$0x3] =	sbarrier.arrive $0xFFFF  }
0x4d: {  	_ =	shalt  }

// kernel: kernel.9.cloned.1.call-start
scs
__scs_entry_jumppad:
0x0: {  	(pc) =	sbr.rel $0x88, $3  }
0x1: {  	(tag) =	ssettag $0x0;
	lr =	simm.s32 $0x1  }
0x2: {  	[smem:$0x3F9F] =	sst lr;
	_ =	strace $0xD0000000  }
0x3: {  	_ = 	snop  }
0x4: {  	_ = 	snop  }
0x5: {  	_ = 	snop  }
0x6: {  	_ = 	snop  }
0x7: {  	_ = 	snop  }
__scs_overlays_trampoline_lowered:
0x8: {  	[smem:$0x3FAE] =	sst s0  }
0x9: {  	[smem:$0x3FAF] =	sst s1  }
0xa: {  	[smem:$0x3FB0] =	sst s2  }
0xb: {  	[smem:$0x3FB1] =	sst s3  }
0xc: {  	[smem:$0x3FB2] =	sst s4  }
0xd: {  	[smem:$0x3FB3] =	sst s5  }
0xe: {  	[smem:$0x3FB4] =	sst s6  }
0xf: {  	[smem:$0x3FB5] =	sst s7  }
0x10: {  	[smem:$0x3FB6] =	sst s8  }
0x11: {  	[smem:$0x3FB7] =	sst s9;
	s0 =	simm.s32 @!p0 $0x0  }
0x12: {  	s1 =	sld [smem:$0x3F9D];
	s0 =	simm.s32 @p0 $0x1  }
0x13: {  	[smem:$0x3FB8] =	sst s0;
	s0 =	simm.s32 @!p1 $0x0  }
0x14: {  	s2 =	sld [smem:$0x3F9C];
	s0 =	simm.s32 @p1 $0x1  }
0x15: {  	[smem:$0x3FB9] =	sst s0;
	s0 =	simm.s32 @!p2 $0x0  }
0x16: {  	s3 =	sld [smem:$0x3FDB];
	s0 =	simm.s32 @p2 $0x1  }
0x17: {  	s4 =	simm.s32 $0x1BF5;
	[smem:$0x3FBB] =	sst s0  }
0x18: {  	s0 =	sld [smem:$0x3F9E];
	_ =	swait.ge [sflag:s4], $0x0  }
0x19: {  	s7 =	sld [smem:$0x3F9F]  }
0x1a: {  	s8 =	sadd.s32 $0xFFFFE003, lr  }
0x1b: {  	s9 =	sadd.s32 $0xFFFFFEF7, lr;
	s5 =	simm.s32 $0xFFFFFFFF;
	p2 =	slt.u32 s8, $0xFFFFF086  }
0x1c: {  	p1 =	slt.u32 s9, $0xF7A;
	s5 =	simm.s32 @!p2 $0x0  }
0x1d: {  	s5 =	simm.s32 @p1 $0x1;
	p0 =	seq.s32 s7, s2  }
0x1e: {  	s7 =	smul.u32 @!p0 $0xF7A, s2;
	p2 =	seq.s32 @!p0 s5, $0x0  }
0x1f: {  	s9 =	smul.u32 $0xF7A, s1;
	s8 =	simm.s32 @!p0 $0x1BF5;
	p2 =	por !p2, p0  }
0x20: {  	[sflag:s8] =	ssyncset.s32 @!p0 $0xFFFFF086;
	s6 =	sadd.s32 @!p0 s3, s7;
	s7 =	simm.s32 @!p0 $0x108  }
0x21: {  	s3 =	sadd.s32 s3, s9;
	s6 =	sadd.s32 @!p0 $0x88, s6;
	s7 =	simm.s32 @p2 $0x1082  }
0x22: {  	[simem:s7], [sflag:s8] =	dma.local @!p0 [hbm:s6], $0xF7A  }
0x23: {  	s9 =	sor.u32 $0xD0000000, s2;
	s6 =	simm.s32 $0x108;
	_ =	swait.ge @!p0 [sflag:s8], $0x0  }
0x24: {  	s3 =	sadd.s32 $0x88, s3;
	s6 =	simm.s32 @!p1 $0x1082;
	[sflag:s4] =	ssyncset.s32 $0xFFFFF086  }
0x25: {  	[simem:s6], [sflag:s4] =	dma.local [hbm:s3], $0xF7A  }
0x26: {  	[smem:$0x3F9F] =	sst s1;
	(tag) =	ssettag s2;
	_ =	strace s9  }
0x27: {  	s1 =	sld [smem:$0x3FAF]  }
0x28: {  	s2 =	sld [smem:$0x3FB0]  }
0x29: {  	s4 =	sld [smem:$0x3FB2]  }
0x2a: {  	p0 =	seq.s32 s5, $0x0;
	s5 =	sld [smem:$0x3FB3]  }
0x2b: {  	s6 =	sld [smem:$0x3FB4]  }
0x2c: {  	s7 =	sld [smem:$0x3FB5]  }
0x2d: {  	s3 =	simm.s32 $0x108;
	s8 =	sld [smem:$0x3FB6]  }
0x2e: {  	s3 =	simm.s32 @!p0 $0x1082;
	s9 =	sld [smem:$0x3FB7]  }
0x2f: {  	lr =	sadd.s32 s0, s3;
	s0 =	sld [smem:$0x3FAE]  }
0x30: {  	s3 =	sld [smem:$0x3FB1]  }
0x31: {  	[smem:$0x3FBA] =	sst s10  }
0x32: {  	s10 =	sld [smem:$0x3FB8];
	_ =	sdelay $0x3  }
0x33: {  	p0 =	seq.s32 s10, $0x1;
	s10 =	sld [smem:$0x3FBA];
	_ =	sdelay $0x3  }
0x34: {  	[smem:$0x3FBA] =	sst s10  }
0x35: {  	s10 =	sld [smem:$0x3FB9];
	_ =	sdelay $0x3  }
0x36: {  	p1 =	seq.s32 s10, $0x1;
	s10 =	sld [smem:$0x3FBA];
	_ =	sdelay $0x3  }
0x37: {  	[smem:$0x3FBA] =	sst s10  }
0x38: {  	s10 =	sld [smem:$0x3FBB]  }
0x39: {  	_ = 	snop;
	(pc) =	sbr.ind lr, $3  }
0x3a: {  	_ = 	snop  }
0x3b: {  	_ = 	snop  }
0x3c: {  	p2 =	seq.s32 s10, $0x1;
	s10 =	sld [smem:$0x3FBA]  }
0x3d: {  	_ =	shalt  }
0x3e: {  	_ =	shalt  }
0x3f: {  	_ =	shalt  }
0x40: {  	_ =	shalt  }
0x41: {  	_ =	shalt  }
0x42: {  	_ =	shalt  }
0x43: {  	_ =	shalt  }
0x44: {  	_ =	shalt  }
0x45: {  	_ =	shalt  }
0x46: {  	_ =	shalt  }
0x47: {  	_ =	shalt  }
0x48: {  	_ =	shalt  }
0x49: {  	_ =	shalt  }
0x4a: {  	_ =	shalt  }
0x4b: {  	_ =	shalt  }
0x4c: {  	_ =	shalt  }
0x4d: {  	_ =	shalt  }
0x4e: {  	_ =	shalt  }
0x4f: {  	_ =	shalt  }
0x50: {  	_ =	shalt  }
0x51: {  	_ =	shalt  }
0x52: {  	_ =	shalt  }
0x53: {  	_ =	shalt  }
0x54: {  	_ =	shalt  }
0x55: {  	_ =	shalt  }
0x56: {  	_ =	shalt  }
0x57: {  	_ =	shalt  }
0x58: {  	_ =	shalt  }
0x59: {  	_ =	shalt  }
0x5a: {  	_ =	shalt  }
0x5b: {  	_ =	shalt  }
0x5c: {  	_ =	shalt  }
0x5d: {  	_ =	shalt  }
0x5e: {  	_ =	shalt  }
0x5f: {  	_ =	shalt  }
0x60: {  	_ =	shalt  }
0x61: {  	_ =	shalt  }
0x62: {  	_ =	shalt  }
0x63: {  	_ =	shalt  }
0x64: {  	_ =	shalt  }
0x65: {  	_ =	shalt  }
0x66: {  	_ =	shalt  }
0x67: {  	_ =	shalt  }
0x68: {  	_ =	shalt  }
0x69: {  	_ =	shalt  }
0x6a: {  	_ =	shalt  }
0x6b: {  	_ =	shalt  }
0x6c: {  	_ =	shalt  }
0x6d: {  	_ =	shalt  }
0x6e: {  	_ =	shalt  }
0x6f: {  	_ =	shalt  }
0x70: {  	_ =	shalt  }
0x71: {  	_ =	shalt  }
0x72: {  	_ =	shalt  }
0x73: {  	_ =	shalt  }
0x74: {  	_ =	shalt  }
0x75: {  	_ =	shalt  }
0x76: {  	_ =	shalt  }
0x77: {  	_ =	shalt  }
0x78: {  	_ =	shalt  }
0x79: {  	_ =	shalt  }
0x7a: {  	_ =	shalt  }
0x7b: {  	_ =	shalt  }
0x7c: {  	_ =	shalt  }
0x7d: {  	_ =	shalt  }
0x7e: {  	_ =	shalt  }
0x7f: {  	_ =	shalt  }
0x80: {  	_ =	shalt  }
0x81: {  	_ =	shalt  }
0x82: {  	_ =	shalt  }
0x83: {  	_ =	shalt  }
0x84: {  	_ =	shalt  }
0x85: {  	_ =	shalt  }
0x86: {  	_ =	shalt  }
0x87: {  	_ =	shalt  }
.Lfunc_end0:
.L_simem_size_0:
called_computation.1_lowered:
.L_overlay_start_0:
0x88: {  	s2 =	sld [smem:$0x3FD9]  }
0x89: {  	s3 =	sld [smem:$0x3FFE];
	_ =	sdelay $0x1  }
0x8a: {  	s1 =	srdreg.scid  }
0x8b: {  	s0 =	sand.u32 $0x1, s1  }
0x8c: {  	s17 =	sshll.u32 s0, $0xA;
	s2 =	sadd.s32 s3, s2  }
0x8d: {  	s2 =	sadd.s32 s2, s17  }
0x8e: {  	[smem:$0x3FC6] =	sst s2  }
0x8f: {  	_ = 	snop  }
0x90: {  	(tm) =	ssettm $0x1  }
0x91: {  	s18 =	sld [smem:$0x3FFB];
	_ =	sdelay $0x3  }
0x92: {  	_ =	strace s18  }
0x93: {  	s2 =	sld [smem:$0x3FFC];
	_ =	sdelay $0x3  }
0x94: {  	_ =	strace s2  }
0x95: {  	s2 =	sld [smem:$0x3FFD];
	_ =	sdelay $0x3  }
0x96: {  	_ =	strace s2  }
0x97: {  	_ =	strace $0x8FFFFFFF  }
0x98: {  	s19 =	sld [smem:$0x3FDB];
	_ =	sdelay $0x1  }
0x99: {  	s20 =	simm.s32 $_scs_section_size  }
0x9a: {  	s4 =	simm.s32 $_size__tile_overlayer_lowered;
	s5 =	simm.s32 $_tile_overlayer_lowered  }
0x9b: {  	s6 =	simm.s32 $0x1BFF;
	s21 =	sshll.u32 s5, $0x1;
	s3 =	sadd.s32 s20, s19  }
0x9c: {  	s22 =	simm.s32 $0x0;
	s4 =	sshll.u32 s4, $0x1;
	s5 =	sadd.s32 s21, s3  }
0x9d: {  	[timem:s22], [sflag:s6] =	dma.local [hbm:s5], s4  }
0x9e: {  	_ =	swait.ge [sflag:s6], s4  }
0x9f: {  	s4 =	ssub.s32 $0x0, s4;
	[sflag:s6] =	ssyncset.done $0x0  }
0xa0: {  	[sflag:s6] =	ssyncadd.s32 s4;
	_ =	sdelay $0x1  }
0xa1: {  	s23 =	simm.s32 $0x1B8B  }
0xa2: {  	_ =	swait.ge [sflag:s23], $0x1  }
0xa3: {  	[sflag:s23] =	ssyncset.done $0x0  }
0xa4: {  	[sflag:s23] =	ssyncadd.s32 $0xFFFFFFFF  }
0xa5: {  	s4 =	sld [smem:$0x0]  }
0xa6: {  	s5 =	sand.u32 $0xFFFFFFFE, s1  }
0xa7: {  	p0 =	sne.s32 s1, s5  }
0xa8: {  	s5 =	sshll.u32 @p0 s5, $0xE  }
0xa9: {  	s5 =	sadd.s32 @p0 $0x11B8D, s5;
	s6 =	sshll.u32 @p0 s4, $0x11  }
0xaa: {  	s5 =	sor.u32 @p0 s6, s5  }
0xab: {  	[sflag:s5] =	ssyncadd.remote.s32 @p0 $0x1;
	_ =	sdelay $0x1  }
0xac: {  	s5 =	simm.s32 @p0 $0x1B8D  }
0xad: {  	_ =	swait.eq @p0 [sflag:s5], $0x1  }
0xae: {  	[sflag:s5] =	ssyncadd.s32 @p0 $0xFFFFFFFF  }
0xaf: {  	s6 =	sshll.u32 @!p0 s1, $0xE  }
0xb0: {  	s6 =	sor.u32 @!p0 $0x4000, s6;
	s5 =	simm.s32 @!p0 $0x1B8D  }
0xb1: {  	s4 =	sshll.u32 @!p0 s4, $0x11;
	s6 =	sadd.s32 @!p0 $0x11B8D, s6;
	_ =	swait.eq @!p0 [sflag:s5], $0x1  }
0xb2: {  	s4 =	sor.u32 @!p0 s4, s6;
	[sflag:s5] =	ssyncadd.s32 @!p0 $0xFFFFFFFF  }
0xb3: {  	s25 =	simm.s32 $0x1B8E;
	s24 =	sld [smem:$0x3FFE];
	[sflag:s4] =	ssyncadd.remote.s32 @!p0 $0x1  }
0xb4: {  	s26 =	simm.s32 $execute0_lowered;
	[smem:$0x3FD2] =	sst s25  }
0xb5: {  	s5 =	sshll.u32 s26, $0x1;
	_ =	strace $0x80000049;
	[dreg:$0x1] =	wrdreg $0xFFFFFFFF  }
0xb6: {  	s28 =	simm.s32 $_size_execute0_lowered;
	s3 =	sadd.s32 s3, s5;
	[dreg:$0x0] =	wrdreg $0x0  }
0xb7: {  	s5 =	sshll.u32 s28, $0x1;
	[dreg:$0x2] =	wrdreg s3  }
0xb8: {  	[dreg:$0x3] =	wrdreg s5  }
0xb9: {  	[dreg:$0x4] =	wrdreg $0xC0  }
0xba: {  	_ =	task [dreg:s22], $0x5FFFF  }
0xbb: {  	[dreg:$0x1] =	wrdreg $0xFFFFFFFF  }
0xbc: {  	[dreg:$0x0] =	wrdreg $0x60  }
0xbd: {  	[dreg:$0x2] =	wrdreg s24  }
0xbe: {  	[dreg:$0x3] =	wrdreg $0xA  }
0xbf: {  	_ =	task.clear_ibuf [dreg:s22], $0x4FFFF;
	_ =	strace $0x90000049  }
0xc0: {  	s29 =	simm.s32 $0xA;
	_ =	strace $0x8000004B  }
0xc1: {  	_ =	swait.ge [sflag:s29], $0x1  }
0xc2: {  	[sflag:s29] =	ssyncadd.s32 $0xFFFFFFFF  }
0xc3: {  	_ =	strace $0x9000004B  }
0xc4: {  	_ =	sfence  }
0xc5: {  	s30 =	sld [smem:$0x0];
	_ =	sdelay $0x2  }
0xc6: {  	s31 =	sshll.u32 s1, $0xD;
	s1 =	sshrl.u32 s1, $0x2  }
0xc7: {  	s4 =	sand.u32 $0x4000, s31;
	s1 =	sadd.s32 s1, s30  }
0xc8: {  	s0 =	sor.u32 s4, s0;
	s1 =	sshll.u32 s1, $0x11  }
0xc9: {  	s0 =	sor.u32 s1, s0  }
0xca: {  	s0 =	sadd.s32 $0x8F2B, s0  }
0xcb: {  	[sflag:s0] =	ssyncadd.remote.s32 $0x1  }
0xcc: {  	_ =	sfence.sel $0xFFFF  }
0xcd: {  	[dreg:$0x0] =	wrdreg $0xFFFFFFFF;
	(pc) =	sbr.abs _section_cstart, $3  }
0xce: {  	[dreg:$0x1] =	wrdreg $0xFFFFFFFF  }
0xcf: {  	_ =	task.clear_ibuf [dreg:s22], $0x2FFFF;
	_ =	strace $0x9FFFFFFF  }
0xd0: {  	(tm) =	ssettm $0x7FFFFFFF  }
0xd1: {  	_ =	shalt  }
tec
execute0_lowered:
.L_overlay_start_1:
0x0: {  	(tag) =	ssettag $0x1  }
0x1: {  	s1 =	srdreg.scid  }
0x2: {  	s0 =	stileid.u32;
	s14 =	sand.u32 $0x1, s1  }
0x3: {  	s29 =	sshll.u32 s0, $0xA;
	s2 =	sshll.u32 s14, $0x9  }
0x4: {  	s15 =	rddreg [dreg:$0x0];
	s16 =	sor.u32 s2, s29  }
0x5: {  	s1 =	rddreg [dreg:$0x1];
	s2 =	simm.s32 $0x0;
	s3 =	sshrl.u32 s16, $0x3  }
0x6: {  	[smem:$0x7FF] =	sst s2;
	s3 =	sadd.s32 s3, s15  }
0x7: {  	_ =	strace $0x8000004A;
	s4 =	sadd.s32 $0x11C00, s3;
	s3 =	simm.s32 $0x2  }
0x8: {  	[tilespmem:s2], [sflag:$0x2] =	stream.linear.gather [hbm4b:s4+s2], $0x200, $0x38;
	[tilespmem:$0x8200] =	vst v63  }
0x9: {  	_ =	swait.ge [sflag:s3], $0x200  }
0xa: {  	s6 =	simm.s32 $0x80;
	[sflag:s3] =	ssyncset.done $0x0  }
0xb: {  	s7 =	simm.s32 $0x200;
	s5 =	sadd.s32 $0x1C00, s15;
	[sflag:s3] =	ssyncadd.s32 $0xFFFFFE00  }
0xc: {  	[tilespmem:s7], [sflag:$0x1] =	stream.indirect.gather [hbm4b:s5+s6], $0x40, s2, s6, $0xb8;
	[tilespmem:$0x8200] =	vst v63  }
0xd: {  	s8 =	simm.s32 $0x2200  }
0xe: {  	[tilespmem:s8], [sflag:$0x1] =	stream.indirect.gather [hbm4b:s5+s6], $0x40, s6, s6, $0xb8;
	[tilespmem:$0x8200] =	vst v63  }
0xf: {  	s9 =	simm.s32 $0x100;
	s10 =	simm.s32 $0x4200  }
0x10: {  	[tilespmem:s10], [sflag:$0x1] =	stream.indirect.gather [hbm4b:s5+s6], $0x40, s9, s6, $0xb8;
	[tilespmem:$0x8200] =	vst v63  }
0x11: {  	s11 =	simm.s32 $0x180;
	s12 =	simm.s32 $0x6200;
	s13 =	simm.s32 $0x1  }
0x12: {  	[tilespmem:s12], [sflag:$0x1] =	stream.indirect.gather [hbm4b:s5+s6], $0x40, s11, s6, $0xb8;
	[tilespmem:$0x8200] =	vst v63  }
0x13: {  	_ =	swait.ge [sflag:s13], $0x2000  }
0x14: {  	[sflag:s13] =	ssyncset.done $0x0  }
0x15: {  	[sflag:s13] =	ssyncadd.s32 $0xFFFFE000  }
0x16: {  	_ =	swait.ge [sflag:s13], $0x2000  }
0x17: {  	[sflag:s13] =	ssyncset.done $0x0  }
0x18: {  	s14 =	ssub.s32 $0x2, s14;
	[sflag:s13] =	ssyncadd.s32 $0xFFFFE000  }
0x19: {  	s17 =	sshrl.u32 s14, $0x1;
	_ =	swait.ge [sflag:s13], $0x2000  }
0x1a: {  	s30 =	ssub.s32 s14, s17;
	[sflag:s13] =	ssyncset.done $0x0  }
0x1b: {  	s31 =	smax.u32 s30, $0x1;
	[sflag:s13] =	ssyncadd.s32 $0xFFFFE000  }
0x1c: {  	s16 =	sshll.u32 s16, $0x3;
	p0 =	sne.s32 s31, $0x1;
	_ =	swait.ge [sflag:s13], $0x2000  }
.Ltmp0:
0x1d: {  	s15 =	sadd.s32 s16, s15;
	[sflag:s13] =	ssyncset.done $0x0;
	(pc) =	sbr.rel @!p0 .LBB2_2-.Ltmp0, $4  }
0x1e: {  	s14 =	sadd.s32 $0x12400, s15;
	[sflag:s13] =	ssyncadd.s32 $0xFFFFE000  }
0x1f: {  	[hbm4b:s14+s2] =	stream.linear.scatter [tilespmem:s7], [sflag:$0x2], $0x8000, $0x38;
	[tilespmem:$0x8200] =	vst v63  }
0x20: {  	_ =	swait.ge [sflag:s3], $0x8000  }
0x21: {  	s15 =	sadd.s32 $0xFFFFFFFF, s31;
	[sflag:s3] =	ssyncset.done $0x0  }
.LBB2_1:
0x22: {  	p0 =	sne.s32 s15, $0x1;
	s15 =	sadd.s32 $0xFFFFFFFF, s15;
	[sflag:s3] =	ssyncadd.s32 $0xFFFF8000  }
0x23: {  	[tilespmem:s2], [sflag:$0x2] =	stream.linear.gather [hbm4b:s4+s2], $0x200, $0x38;
	[tilespmem:$0x8200] =	vst v63  }
0x24: {  	_ =	swait.ge [sflag:s3], $0x200  }
0x25: {  	[sflag:s3] =	ssyncset.done $0x0  }
0x26: {  	[sflag:s3] =	ssyncadd.s32 $0xFFFFFE00  }
0x27: {  	[tilespmem:s7], [sflag:$0x1] =	stream.indirect.gather [hbm4b:s5+s6], $0x40, s2, s6, $0xb8;
	[tilespmem:$0x8200] =	vst v63  }
0x28: {  	_ = 	snop  }
0x29: {  	[tilespmem:s8], [sflag:$0x1] =	stream.indirect.gather [hbm4b:s5+s6], $0x40, s6, s6, $0xb8;
	[tilespmem:$0x8200] =	vst v63  }
0x2a: {  	_ = 	snop  }
0x2b: {  	[tilespmem:s10], [sflag:$0x1] =	stream.indirect.gather [hbm4b:s5+s6], $0x40, s9, s6, $0xb8;
	[tilespmem:$0x8200] =	vst v63  }
0x2c: {  	_ = 	snop  }
0x2d: {  	[tilespmem:s12], [sflag:$0x1] =	stream.indirect.gather [hbm4b:s5+s6], $0x40, s11, s6, $0xb8;
	[tilespmem:$0x8200] =	vst v63  }
0x2e: {  	_ =	swait.ge [sflag:s13], $0x2000  }
0x2f: {  	[sflag:s13] =	ssyncset.done $0x0  }
0x30: {  	[sflag:s13] =	ssyncadd.s32 $0xFFFFE000  }
0x31: {  	_ =	swait.ge [sflag:s13], $0x2000  }
0x32: {  	[sflag:s13] =	ssyncset.done $0x0  }
0x33: {  	[sflag:s13] =	ssyncadd.s32 $0xFFFFE000  }
0x34: {  	_ =	swait.ge [sflag:s13], $0x2000  }
0x35: {  	[sflag:s13] =	ssyncset.done $0x0  }
0x36: {  	[sflag:s13] =	ssyncadd.s32 $0xFFFFE000  }
0x37: {  	_ =	swait.ge [sflag:s13], $0x2000  }
.Ltmp1:
0x38: {  	[sflag:s13] =	ssyncset.done $0x0;
	(pc) =	sbr.rel @p0 .LBB2_1-.Ltmp1, $4  }
0x39: {  	[sflag:s13] =	ssyncadd.s32 $0xFFFFE000  }
0x3a: {  	[hbm4b:s14+s2] =	stream.linear.scatter [tilespmem:s7], [sflag:$0x2], $0x8000, $0x38;
	[tilespmem:$0x8200] =	vst v63  }
0x3b: {  	_ =	swait.ge [sflag:s3], $0x8000  }
0x3c: {  	[sflag:s3] =	ssyncset.done $0x0  }
.LBB2_2:
0x3d: {  	[sflag:s3] =	ssyncadd.s32 $0xFFFF8000  }
0x3e: {  	_ =	sfence.sel $0x180000  }
0x3f: {  	[bflag:$0x0] =	sbarrier.arrive $0xFFFF  }
0x40: {  	p0 =	sne.s32 s0, $0x0;
	_ =	strace $0x9000004A  }
0x41: {  	s0 =	sadd.s32 @!p0 $0x100000, s1;
	[bflag:$0x2] =	sbarrier.arrive $0xFFFF  }
0x42: {  	[sflag:s0] =	ssyncadd.tile.s32 @!p0 $0x1;
	_ =	shalt  }
.Lfunc_end2:
_tile_overlayer_lowered:
.L_overlay_start_2:
0x43: {  	(tag) =	ssettag $0x2  }
0x44: {  	s0 =	rddreg [dreg:$0x0];
	s2 =	stileid.u32  }
0x45: {  	s1 =	rddreg [dreg:$0x1];
	p0 =	sne.s32 s2, $0x0  }
0x46: {  	s3 =	rddreg [dreg:$0x2];
	[bflag:$0x3] =	sbarrier.arrive $0xFFFF;
	s2 =	simm.s32 @!p0 $0x1C02  }
0x47: {  	[timem:s3], [sflag:s2] =	dma.local @!p0 [hbm:s0], s1  }
0x48: {  	s0 =	simm.s32 @!p0 $0x2  }
0x49: {  	_ =	swait.ge @!p0 [sflag:s0], s1  }
0x4a: {  	s1 =	ssub.s32 @!p0 $0x0, s1;
	[sflag:s0] =	ssyncset.done @!p0 $0x0  }
0x4b: {  	[sflag:s0] =	ssyncadd.s32 @!p0 s1  }
0x4c: {  	[bflag:$0x3] =	sbarrier.arrive $0xFFFF  }
0x4d: {  	_ =	shalt  }

</sc_bundles>
